<compile_context>
chip_gen: v7x
topology: tpu7x:2x2x1
jax: 0.10.2.dev20260603
libtpu: 0.0.44.dev20260713+nightly
codegen_flags: <defaults>
</compile_context>

<pallas_src>
import functools

import jax
import jax.numpy as jnp
from jax import lax
from jax.experimental import pallas as pl
from jax.experimental.pallas import tpu as pltpu
from jax.experimental.pallas import tpu_sc as plsc

SIZE_DATASET = 100000
NUM_BONES = 32
BATCH = 4096
D = NUM_BONES * 4

NC = 2
NS = 16
NW = NC * NS
B_PER_W = BATCH // NW
CHUNKS = B_PER_W * D // (4 * 16)


NBLK = 4
ROWS_BLK = B_PER_W // NBLK


HALF = B_PER_W // 2


def _sc_body(idx_hbm, table_hbm, out_hbm, idx_v, rows_v, g0, g1, ws):
    wid = lax.axis_index("s") * NC + lax.axis_index("c")
    base = wid * B_PER_W
    pltpu.sync_copy(idx_hbm.at[pl.ds(base, HALF)], idx_v.at[pl.ds(0, HALF)])
    pltpu.async_copy(
        table_hbm.at[idx_v.at[pl.ds(0, HALF)]],
        rows_v.at[pl.ds(0, HALF)],
        g0,
    )
    pltpu.sync_copy(
        idx_hbm.at[pl.ds(base + HALF, HALF)], idx_v.at[pl.ds(HALF, HALF)]
    )
    pltpu.async_copy(
        table_hbm.at[idx_v.at[pl.ds(HALF, HALF)]],
        rows_v.at[pl.ds(HALF, HALF)],
        g1,
    )

    lanes4 = lax.iota(jnp.int32, 16) * 4

    def row_body(r):
        row_v = jnp.full((16,), r, jnp.int32)
        for h in (0, 64):
            c0 = h + lanes4
            c1 = c0 + 1
            c2 = c0 + 2
            c3 = c0 + 3
            qx = plsc.load_gather(rows_v, [row_v, c0])
            qy = plsc.load_gather(rows_v, [row_v, c1])
            qz = plsc.load_gather(rows_v, [row_v, c2])
            qw = plsc.load_gather(rows_v, [row_v, c3])
            ss = jnp.maximum(qx * qx + qy * qy + qz * qz + qw * qw, 1e-24)
            yi = 0x5F3759DF - (lax.bitcast_convert_type(ss, jnp.int32) >> 1)
            y = lax.bitcast_convert_type(yi, jnp.float32)
            y = y * (1.5 - (ss * 0.5) * y * y)
            plsc.store_scatter(rows_v, [row_v, c0], qx * y)
            plsc.store_scatter(rows_v, [row_v, c1], qy * y)
            plsc.store_scatter(rows_v, [row_v, c2], qz * y)
            plsc.store_scatter(rows_v, [row_v, c3], qw * y)

    for k, g in ((0, g0), (1, g1)):
        pltpu.make_async_copy(
            table_hbm.at[idx_v.at[pl.ds(0, HALF)]],
            rows_v.at[pl.ds(0, HALF)],
            g,
        ).wait()
        plsc.parallel_loop(k * HALF, (k + 1) * HALF, 1, unroll=1)(row_body)
        pltpu.async_copy(
            rows_v.at[pl.ds(k * HALF, HALF)],
            out_hbm.at[pl.ds(base + k * HALF, HALF)],
            ws,
        )
    pltpu.make_async_copy(rows_v, out_hbm.at[pl.ds(base, B_PER_W)], ws).wait()


@jax.jit
def _run(indices, table):
    mesh = plsc.VectorSubcoreMesh(core_axis_name="c", subcore_axis_name="s")
    out = pl.kernel(
        _sc_body,
        mesh=mesh,
        out_type=jax.ShapeDtypeStruct((BATCH, D), jnp.float32),
        scratch_types=[
            pltpu.VMEM((B_PER_W,), jnp.int32),
            pltpu.VMEM((B_PER_W, D), jnp.float32),
            pltpu.SemaphoreType.DMA,
            pltpu.SemaphoreType.DMA,
            pltpu.SemaphoreType.DMA,
        ],
        compiler_params=pltpu.CompilerParams(
            needs_layout_passes=False, use_tc_tiling_on_sc=False
        ),
    )(indices, table)
    return out.reshape(BATCH, NUM_BONES, 4)


def kernel(indices, table):
    return _run(indices.astype(jnp.int32), table)

# --- scband reference (transcript-rebuilt; emitter-appended) ---
"""Pipeline reference for scband-articulation-predictor-71768903516807 (READ-ONLY COPY).

The authoritative reference and input builder live on the scoring server;
editing this copy changes nothing except your own understanding.
"""

import jax, jax.numpy as jnp
import numpy as np

SIZE_DATASET = 100000
NUM_BONES = 32
BATCH = 4096


def setup_inputs(seed: int = 0) -> dict:
    key = jax.random.key(seed)
    k1, k2 = jax.random.split(key)
    indices = jax.random.randint(k1, (BATCH,), 0, SIZE_DATASET, dtype=jnp.int64 if jax.config.jax_enable_x64 else jnp.int32)
    # Embedding table initialized like the torch module: tiny noise, w-component set to 1.0
    table = jax.random.normal(k2, (SIZE_DATASET, NUM_BONES, 4), dtype=jnp.float32) * 1e-06
    table = table.at[:, :, 0].set(1.0)
    table = table.reshape(SIZE_DATASET, NUM_BONES * 4)
    return {"indices": indices, "table": table}


def reference(indices, table):
    # embedding lookup
    bones_rotations = jnp.take(table, indices, axis=0)
    bones_rotations = bones_rotations.reshape(-1, NUM_BONES, 4)
    # F.normalize(p=2, dim=2) with eps=1e-12 clamp on the norm
    norm = jnp.linalg.norm(bones_rotations, ord=2, axis=2, keepdims=True)
    bones_rotations = bones_rotations / jnp.maximum(norm, 1e-12)
    return bones_rotations

if __name__ == "__main__":
    import jax
    _d = setup_inputs()
    print(jax.jit(kernel)(*tuple(_d.values())))

</pallas_src>

<mosaic_0001>
#map = affine_map<(d0, d1) -> (0)>
#map1 = affine_map<(d0, d1) -> (0, 0)>
module attributes {stable_mosaic.version = 14 : i64} {
  func.func @_sc_body(%arg0: i32, %arg1: i32, %arg2: memref<4096xi32, #tpu.memory_space<hbm>>, %arg3: memref<100000x128xf32, #tpu.memory_space<hbm>>, %arg4: memref<4096x128xf32, #tpu.memory_space<hbm>>, %arg5: memref<128xi32, #tpu.memory_space<vmem>>, %arg6: memref<128x128xf32, #tpu.memory_space<vmem>>, %arg7: memref<!tpu.dma_semaphore, #tpu.memory_space<semaphore_mem>>, %arg8: memref<!tpu.dma_semaphore, #tpu.memory_space<semaphore_mem>>, %arg9: memref<!tpu.dma_semaphore, #tpu.memory_space<semaphore_mem>>) attributes {dimension_semantics = [#tpu.dimension_semantics<core_parallel>, #tpu.dimension_semantics<subcore_parallel>], iteration_bounds = array<i64: 2, 16>, scalar_prefetch = 0 : i64, scratch_operands = 5 : i64, tpu.core_type = #tpu.core_type<sc_vector_subcore>, window_params = [{transform_indices = #map}, {transform_indices = #map1}, {transform_indices = #map1}]} {
    %mul3A = arith.constant 2 : i32
    %mul3A_0 = arith.muli %arg1, %mul3A : i32
    %add3A = arith.addi %mul3A_0, %arg0 : i32
    %mul3A_1 = arith.constant 128 : i32
    %mul3A_2 = arith.muli %add3A, %mul3A_1 : i32
    "tpu.region"() ({
      %run_scoped3A = tpu.sem_alloc : memref<!tpu.dma_semaphore, #tpu.memory_space<semaphore_mem>>
      %dma_start3A_71 = arith.constant 0 : i32
      %dma_start3A_72 = tpu.memref_slice %arg5[%dma_start3A_71] : memref<128xi32, #tpu.memory_space<vmem>> -> memref<64xi32, #tpu.memory_space<vmem>>
      %dma_start3A_73 = tpu.memref_slice %arg2[%mul3A_2] : memref<4096xi32, #tpu.memory_space<hbm>> -> memref<64xi32, #tpu.memory_space<hbm>>
      %dma_start3A_74 = arith.constant 0 : i32
      %dma_start3A_75 = tpu.memref_slice %arg5[%dma_start3A_74] : memref<128xi32, #tpu.memory_space<vmem>> -> memref<64xi32, #tpu.memory_space<vmem>>
      %dma_start3A_76 = tpu.memref_slice %arg2[%mul3A_2] : memref<4096xi32, #tpu.memory_space<hbm>> -> memref<64xi32, #tpu.memory_space<hbm>>
      tpu.enqueue_dma source(%dma_start3A_76 : memref<64xi32, #tpu.memory_space<hbm>>) target(%dma_start3A_75 : memref<64xi32, #tpu.memory_space<vmem>>) target_semaphore(%run_scoped3A : memref<!tpu.dma_semaphore, #tpu.memory_space<semaphore_mem>>)
      %dma_wait3A_77 = arith.constant 0 : i32
      %dma_wait3A_78 = tpu.memref_slice %arg5[%dma_wait3A_77] : memref<128xi32, #tpu.memory_space<vmem>> -> memref<64xi32, #tpu.memory_space<vmem>>
      %dma_wait3A_79 = tpu.memref_slice %arg2[%mul3A_2] : memref<4096xi32, #tpu.memory_space<hbm>> -> memref<64xi32, #tpu.memory_space<hbm>>
      %dma_wait3A_80 = arith.constant 0 : i32
      %dma_wait3A_81 = tpu.memref_slice %arg5[%dma_wait3A_80] : memref<128xi32, #tpu.memory_space<vmem>> -> memref<64xi32, #tpu.memory_space<vmem>>
      %dma_wait3A_82 = tpu.memref_slice %arg2[%mul3A_2] : memref<4096xi32, #tpu.memory_space<hbm>> -> memref<64xi32, #tpu.memory_space<hbm>>
      tpu.wait_dma2 semaphore(%run_scoped3A : memref<!tpu.dma_semaphore, #tpu.memory_space<semaphore_mem>>) src(%dma_wait3A_82 : memref<64xi32, #tpu.memory_space<hbm>>) dst(%dma_wait3A_81 : memref<64xi32, #tpu.memory_space<vmem>>)
      tpu.yield
    }) : () -> ()
    %dma_start3A = arith.constant 0 : i32
    %dma_start3A_3 = arith.constant 0 : i32
    %dma_start3A_4 = tpu.memref_slice %arg6[%dma_start3A, %dma_start3A_3] : memref<128x128xf32, #tpu.memory_space<vmem>> -> memref<64x128xf32, #tpu.memory_space<vmem>>
    %dma_start3A_5 = arith.constant 0 : i32
    %dma_start3A_6 = tpu.memref_slice %arg5[%dma_start3A_5] : memref<128xi32, #tpu.memory_space<vmem>> -> memref<64xi32, #tpu.memory_space<vmem>>
    %dma_start3A_7 = arith.constant 0 : i32
    %dma_start3A_8 = arith.constant 0 : i32
    %dma_start3A_9 = tpu.memref_slice %arg3[%dma_start3A_7, %dma_start3A_8] : memref<100000x128xf32, #tpu.memory_space<hbm>> -> memref<100000x128xf32, #tpu.memory_space<hbm>>
    tpu.enqueue_indirect_dma source(%dma_start3A_9 : memref<100000x128xf32, #tpu.memory_space<hbm>>) target(%dma_start3A_4 : memref<64x128xf32, #tpu.memory_space<vmem>>) offsets(%dma_start3A_6 : memref<64xi32, #tpu.memory_space<vmem>>) semaphore(%arg7 : memref<!tpu.dma_semaphore, #tpu.memory_space<semaphore_mem>>)
    %add3A_10 = arith.constant 64 : i32
    %add3A_11 = arith.addi %mul3A_2, %add3A_10 : i32
    "tpu.region"() ({
      %run_scoped3A = tpu.sem_alloc : memref<!tpu.dma_semaphore, #tpu.memory_space<semaphore_mem>>
      %dma_start3A_71 = arith.constant 64 : i32
      %dma_start3A_72 = tpu.memref_slice %arg5[%dma_start3A_71] : memref<128xi32, #tpu.memory_space<vmem>> -> memref<64xi32, #tpu.memory_space<vmem>>
      %dma_start3A_73 = tpu.memref_slice %arg2[%add3A_11] : memref<4096xi32, #tpu.memory_space<hbm>> -> memref<64xi32, #tpu.memory_space<hbm>>
      %dma_start3A_74 = arith.constant 64 : i32
      %dma_start3A_75 = tpu.memref_slice %arg5[%dma_start3A_74] : memref<128xi32, #tpu.memory_space<vmem>> -> memref<64xi32, #tpu.memory_space<vmem>>
      %dma_start3A_76 = tpu.memref_slice %arg2[%add3A_11] : memref<4096xi32, #tpu.memory_space<hbm>> -> memref<64xi32, #tpu.memory_space<hbm>>
      tpu.enqueue_dma source(%dma_start3A_76 : memref<64xi32, #tpu.memory_space<hbm>>) target(%dma_start3A_75 : memref<64xi32, #tpu.memory_space<vmem>>) target_semaphore(%run_scoped3A : memref<!tpu.dma_semaphore, #tpu.memory_space<semaphore_mem>>)
      %dma_wait3A_77 = arith.constant 64 : i32
      %dma_wait3A_78 = tpu.memref_slice %arg5[%dma_wait3A_77] : memref<128xi32, #tpu.memory_space<vmem>> -> memref<64xi32, #tpu.memory_space<vmem>>
      %dma_wait3A_79 = tpu.memref_slice %arg2[%add3A_11] : memref<4096xi32, #tpu.memory_space<hbm>> -> memref<64xi32, #tpu.memory_space<hbm>>
      %dma_wait3A_80 = arith.constant 64 : i32
      %dma_wait3A_81 = tpu.memref_slice %arg5[%dma_wait3A_80] : memref<128xi32, #tpu.memory_space<vmem>> -> memref<64xi32, #tpu.memory_space<vmem>>
      %dma_wait3A_82 = tpu.memref_slice %arg2[%add3A_11] : memref<4096xi32, #tpu.memory_space<hbm>> -> memref<64xi32, #tpu.memory_space<hbm>>
      tpu.wait_dma2 semaphore(%run_scoped3A : memref<!tpu.dma_semaphore, #tpu.memory_space<semaphore_mem>>) src(%dma_wait3A_82 : memref<64xi32, #tpu.memory_space<hbm>>) dst(%dma_wait3A_81 : memref<64xi32, #tpu.memory_space<vmem>>)
      tpu.yield
    }) : () -> ()
    %dma_start3A_12 = arith.constant 64 : i32
    %dma_start3A_13 = arith.constant 0 : i32
    %dma_start3A_14 = tpu.memref_slice %arg6[%dma_start3A_12, %dma_start3A_13] : memref<128x128xf32, #tpu.memory_space<vmem>> -> memref<64x128xf32, #tpu.memory_space<vmem>>
    %dma_start3A_15 = arith.constant 64 : i32
    %dma_start3A_16 = tpu.memref_slice %arg5[%dma_start3A_15] : memref<128xi32, #tpu.memory_space<vmem>> -> memref<64xi32, #tpu.memory_space<vmem>>
    %dma_start3A_17 = arith.constant 0 : i32
    %dma_start3A_18 = arith.constant 0 : i32
    %dma_start3A_19 = tpu.memref_slice %arg3[%dma_start3A_17, %dma_start3A_18] : memref<100000x128xf32, #tpu.memory_space<hbm>> -> memref<100000x128xf32, #tpu.memory_space<hbm>>
    tpu.enqueue_indirect_dma source(%dma_start3A_19 : memref<100000x128xf32, #tpu.memory_space<hbm>>) target(%dma_start3A_14 : memref<64x128xf32, #tpu.memory_space<vmem>>) offsets(%dma_start3A_16 : memref<64xi32, #tpu.memory_space<vmem>>) semaphore(%arg8 : memref<!tpu.dma_semaphore, #tpu.memory_space<semaphore_mem>>)
    %iota3A = tpu.iota {dimensions = array<i32: 0>} : vector<16xi32>
    %mul3A_20 = arith.constant 4 : i32
    %mul3A_21 = vector.broadcast %mul3A_20 : i32 to vector<16xi32>
    %mul3A_22 = arith.muli %iota3A, %mul3A_21 : vector<16xi32>
    %dma_wait3A = arith.constant 0 : i32
    %dma_wait3A_23 = arith.constant 0 : i32
    %dma_wait3A_24 = tpu.memref_slice %arg6[%dma_wait3A, %dma_wait3A_23] : memref<128x128xf32, #tpu.memory_space<vmem>> -> memref<64x128xf32, #tpu.memory_space<vmem>>
    %dma_wait3A_25 = arith.constant 0 : i32
    %dma_wait3A_26 = tpu.memref_slice %arg5[%dma_wait3A_25] : memref<128xi32, #tpu.memory_space<vmem>> -> memref<64xi32, #tpu.memory_space<vmem>>
    %dma_wait3A_27 = arith.constant 0 : i32
    %dma_wait3A_28 = arith.constant 0 : i32
    %dma_wait3A_29 = tpu.memref_slice %arg3[%dma_wait3A_27, %dma_wait3A_28] : memref<100000x128xf32, #tpu.memory_space<hbm>> -> memref<100000x128xf32, #tpu.memory_space<hbm>>
    tpu.wait_indirect_dma semaphore(%arg7 : memref<!tpu.dma_semaphore, #tpu.memory_space<semaphore_mem>>) src(%dma_wait3A_29 : memref<100000x128xf32, #tpu.memory_space<hbm>>) dst(%dma_wait3A_24 : memref<64x128xf32, #tpu.memory_space<vmem>>)
    %parallel_loop3A = arith.constant 0 : i32
    %parallel_loop3A_30 = arith.constant 64 : i32
    %parallel_loop3A_31 = arith.constant 1 : i32
    scf.for %parallel_loop3A_71 = %parallel_loop3A to %parallel_loop3A_30 step %parallel_loop3A_31  : i32 {
      %parallel_loop3A_72 = vector.broadcast %parallel_loop3A_71 : i32 to vector<16xi32>
      %parallel_loop3A_73 = arith.constant 0 : i32
      %parallel_loop3A_74 = vector.broadcast %parallel_loop3A_73 : i32 to vector<16xi32>
      %parallel_loop3A_75 = arith.addi %parallel_loop3A_74, %mul3A_22 : vector<16xi32>
      %parallel_loop3A_76 = arith.constant 1 : i32
      %parallel_loop3A_77 = vector.broadcast %parallel_loop3A_76 : i32 to vector<16xi32>
      %parallel_loop3A_78 = arith.addi %parallel_loop3A_75, %parallel_loop3A_77 : vector<16xi32>
      %parallel_loop3A_79 = arith.constant 2 : i32
      %parallel_loop3A_80 = vector.broadcast %parallel_loop3A_79 : i32 to vector<16xi32>
      %parallel_loop3A_81 = arith.addi %parallel_loop3A_75, %parallel_loop3A_80 : vector<16xi32>
      %parallel_loop3A_82 = arith.constant 3 : i32
      %parallel_loop3A_83 = vector.broadcast %parallel_loop3A_82 : i32 to vector<16xi32>
      %parallel_loop3A_84 = arith.addi %parallel_loop3A_75, %parallel_loop3A_83 : vector<16xi32>
      %parallel_loop3A_85 = tpu.vector_load_idx %arg6[%parallel_loop3A_72, %parallel_loop3A_75] : memref<128x128xf32, #tpu.memory_space<vmem>>[vector<16xi32>, vector<16xi32>], vector<16xf32>,
      %parallel_loop3A_86 = tpu.vector_load_idx %arg6[%parallel_loop3A_72, %parallel_loop3A_78] : memref<128x128xf32, #tpu.memory_space<vmem>>[vector<16xi32>, vector<16xi32>], vector<16xf32>,
      %parallel_loop3A_87 = tpu.vector_load_idx %arg6[%parallel_loop3A_72, %parallel_loop3A_81] : memref<128x128xf32, #tpu.memory_space<vmem>>[vector<16xi32>, vector<16xi32>], vector<16xf32>,
      %parallel_loop3A_88 = tpu.vector_load_idx %arg6[%parallel_loop3A_72, %parallel_loop3A_84] : memref<128x128xf32, #tpu.memory_space<vmem>>[vector<16xi32>, vector<16xi32>], vector<16xf32>,
      %parallel_loop3A_89 = arith.mulf %parallel_loop3A_85, %parallel_loop3A_85 : vector<16xf32>
      %parallel_loop3A_90 = arith.mulf %parallel_loop3A_86, %parallel_loop3A_86 : vector<16xf32>
      %parallel_loop3A_91 = arith.addf %parallel_loop3A_89, %parallel_loop3A_90 : vector<16xf32>
      %parallel_loop3A_92 = arith.mulf %parallel_loop3A_87, %parallel_loop3A_87 : vector<16xf32>
      %parallel_loop3A_93 = arith.addf %parallel_loop3A_91, %parallel_loop3A_92 : vector<16xf32>
      %parallel_loop3A_94 = arith.mulf %parallel_loop3A_88, %parallel_loop3A_88 : vector<16xf32>
      %parallel_loop3A_95 = arith.addf %parallel_loop3A_93, %parallel_loop3A_94 : vector<16xf32>
      %parallel_loop3A_96 = arith.constant 1.000000e-24 : f32
      %parallel_loop3A_97 = vector.broadcast %parallel_loop3A_96 : f32 to vector<16xf32>
      %parallel_loop3A_98 = arith.maximumf %parallel_loop3A_95, %parallel_loop3A_97 : vector<16xf32>
      %parallel_loop3A_99 = tpu.bitcast %parallel_loop3A_98 : vector<16xf32> -> vector<16xi32>
      %parallel_loop3A_100 = arith.constant 1 : i32
      %parallel_loop3A_101 = vector.broadcast %parallel_loop3A_100 : i32 to vector<16xi32>
      %parallel_loop3A_102 = arith.shrsi %parallel_loop3A_99, %parallel_loop3A_101 : vector<16xi32>
      %parallel_loop3A_103 = arith.constant 1597463007 : i32
      %parallel_loop3A_104 = vector.broadcast %parallel_loop3A_103 : i32 to vector<16xi32>
      %parallel_loop3A_105 = arith.subi %parallel_loop3A_104, %parallel_loop3A_102 : vector<16xi32>
      %parallel_loop3A_106 = tpu.bitcast %parallel_loop3A_105 : vector<16xi32> -> vector<16xf32>
      %parallel_loop3A_107 = arith.constant 5.000000e-01 : f32
      %parallel_loop3A_108 = vector.broadcast %parallel_loop3A_107 : f32 to vector<16xf32>
      %parallel_loop3A_109 = arith.mulf %parallel_loop3A_98, %parallel_loop3A_108 : vector<16xf32>
      %parallel_loop3A_110 = arith.mulf %parallel_loop3A_109, %parallel_loop3A_106 : vector<16xf32>
      %parallel_loop3A_111 = arith.mulf %parallel_loop3A_110, %parallel_loop3A_106 : vector<16xf32>
      %parallel_loop3A_112 = arith.constant 1.500000e+00 : f32
      %parallel_loop3A_113 = vector.broadcast %parallel_loop3A_112 : f32 to vector<16xf32>
      %parallel_loop3A_114 = arith.subf %parallel_loop3A_113, %parallel_loop3A_111 : vector<16xf32>
      %parallel_loop3A_115 = arith.mulf %parallel_loop3A_106, %parallel_loop3A_114 : vector<16xf32>
      %parallel_loop3A_116 = arith.mulf %parallel_loop3A_85, %parallel_loop3A_115 : vector<16xf32>
      tpu.vector_store_idx %arg6[%parallel_loop3A_72, %parallel_loop3A_75], %parallel_loop3A_116 : memref<128x128xf32, #tpu.memory_space<vmem>>[vector<16xi32>, vector<16xi32>], vector<16xf32>,
      %parallel_loop3A_117 = arith.mulf %parallel_loop3A_86, %parallel_loop3A_115 : vector<16xf32>
      tpu.vector_store_idx %arg6[%parallel_loop3A_72, %parallel_loop3A_78], %parallel_loop3A_117 : memref<128x128xf32, #tpu.memory_space<vmem>>[vector<16xi32>, vector<16xi32>], vector<16xf32>,
      %parallel_loop3A_118 = arith.mulf %parallel_loop3A_87, %parallel_loop3A_115 : vector<16xf32>
      tpu.vector_store_idx %arg6[%parallel_loop3A_72, %parallel_loop3A_81], %parallel_loop3A_118 : memref<128x128xf32, #tpu.memory_space<vmem>>[vector<16xi32>, vector<16xi32>], vector<16xf32>,
      %parallel_loop3A_119 = arith.mulf %parallel_loop3A_88, %parallel_loop3A_115 : vector<16xf32>
      tpu.vector_store_idx %arg6[%parallel_loop3A_72, %parallel_loop3A_84], %parallel_loop3A_119 : memref<128x128xf32, #tpu.memory_space<vmem>>[vector<16xi32>, vector<16xi32>], vector<16xf32>,
      %parallel_loop3A_120 = arith.constant 64 : i32
      %parallel_loop3A_121 = vector.broadcast %parallel_loop3A_120 : i32 to vector<16xi32>
      %parallel_loop3A_122 = arith.addi %parallel_loop3A_121, %mul3A_22 : vector<16xi32>
      %parallel_loop3A_123 = arith.constant 1 : i32
      %parallel_loop3A_124 = vector.broadcast %parallel_loop3A_123 : i32 to vector<16xi32>
      %parallel_loop3A_125 = arith.addi %parallel_loop3A_122, %parallel_loop3A_124 : vector<16xi32>
      %parallel_loop3A_126 = arith.constant 2 : i32
      %parallel_loop3A_127 = vector.broadcast %parallel_loop3A_126 : i32 to vector<16xi32>
      %parallel_loop3A_128 = arith.addi %parallel_loop3A_122, %parallel_loop3A_127 : vector<16xi32>
      %parallel_loop3A_129 = arith.constant 3 : i32
      %parallel_loop3A_130 = vector.broadcast %parallel_loop3A_129 : i32 to vector<16xi32>
      %parallel_loop3A_131 = arith.addi %parallel_loop3A_122, %parallel_loop3A_130 : vector<16xi32>
      %parallel_loop3A_132 = tpu.vector_load_idx %arg6[%parallel_loop3A_72, %parallel_loop3A_122] : memref<128x128xf32, #tpu.memory_space<vmem>>[vector<16xi32>, vector<16xi32>], vector<16xf32>,
      %parallel_loop3A_133 = tpu.vector_load_idx %arg6[%parallel_loop3A_72, %parallel_loop3A_125] : memref<128x128xf32, #tpu.memory_space<vmem>>[vector<16xi32>, vector<16xi32>], vector<16xf32>,
      %parallel_loop3A_134 = tpu.vector_load_idx %arg6[%parallel_loop3A_72, %parallel_loop3A_128] : memref<128x128xf32, #tpu.memory_space<vmem>>[vector<16xi32>, vector<16xi32>], vector<16xf32>,
      %parallel_loop3A_135 = tpu.vector_load_idx %arg6[%parallel_loop3A_72, %parallel_loop3A_131] : memref<128x128xf32, #tpu.memory_space<vmem>>[vector<16xi32>, vector<16xi32>], vector<16xf32>,
      %parallel_loop3A_136 = arith.mulf %parallel_loop3A_132, %parallel_loop3A_132 : vector<16xf32>
      %parallel_loop3A_137 = arith.mulf %parallel_loop3A_133, %parallel_loop3A_133 : vector<16xf32>
      %parallel_loop3A_138 = arith.addf %parallel_loop3A_136, %parallel_loop3A_137 : vector<16xf32>
      %parallel_loop3A_139 = arith.mulf %parallel_loop3A_134, %parallel_loop3A_134 : vector<16xf32>
      %parallel_loop3A_140 = arith.addf %parallel_loop3A_138, %parallel_loop3A_139 : vector<16xf32>
      %parallel_loop3A_141 = arith.mulf %parallel_loop3A_135, %parallel_loop3A_135 : vector<16xf32>
      %parallel_loop3A_142 = arith.addf %parallel_loop3A_140, %parallel_loop3A_141 : vector<16xf32>
      %parallel_loop3A_143 = arith.constant 1.000000e-24 : f32
      %parallel_loop3A_144 = vector.broadcast %parallel_loop3A_143 : f32 to vector<16xf32>
      %parallel_loop3A_145 = arith.maximumf %parallel_loop3A_142, %parallel_loop3A_144 : vector<16xf32>
      %parallel_loop3A_146 = tpu.bitcast %parallel_loop3A_145 : vector<16xf32> -> vector<16xi32>
      %parallel_loop3A_147 = arith.constant 1 : i32
      %parallel_loop3A_148 = vector.broadcast %parallel_loop3A_147 : i32 to vector<16xi32>
      %parallel_loop3A_149 = arith.shrsi %parallel_loop3A_146, %parallel_loop3A_148 : vector<16xi32>
      %parallel_loop3A_150 = arith.constant 1597463007 : i32
      %parallel_loop3A_151 = vector.broadcast %parallel_loop3A_150 : i32 to vector<16xi32>
      %parallel_loop3A_152 = arith.subi %parallel_loop3A_151, %parallel_loop3A_149 : vector<16xi32>
      %parallel_loop3A_153 = tpu.bitcast %parallel_loop3A_152 : vector<16xi32> -> vector<16xf32>
      %parallel_loop3A_154 = arith.constant 5.000000e-01 : f32
      %parallel_loop3A_155 = vector.broadcast %parallel_loop3A_154 : f32 to vector<16xf32>
      %parallel_loop3A_156 = arith.mulf %parallel_loop3A_145, %parallel_loop3A_155 : vector<16xf32>
      %parallel_loop3A_157 = arith.mulf %parallel_loop3A_156, %parallel_loop3A_153 : vector<16xf32>
      %parallel_loop3A_158 = arith.mulf %parallel_loop3A_157, %parallel_loop3A_153 : vector<16xf32>
      %parallel_loop3A_159 = arith.constant 1.500000e+00 : f32
      %parallel_loop3A_160 = vector.broadcast %parallel_loop3A_159 : f32 to vector<16xf32>
      %parallel_loop3A_161 = arith.subf %parallel_loop3A_160, %parallel_loop3A_158 : vector<16xf32>
      %parallel_loop3A_162 = arith.mulf %parallel_loop3A_153, %parallel_loop3A_161 : vector<16xf32>
      %parallel_loop3A_163 = arith.mulf %parallel_loop3A_132, %parallel_loop3A_162 : vector<16xf32>
      tpu.vector_store_idx %arg6[%parallel_loop3A_72, %parallel_loop3A_122], %parallel_loop3A_163 : memref<128x128xf32, #tpu.memory_space<vmem>>[vector<16xi32>, vector<16xi32>], vector<16xf32>,
      %parallel_loop3A_164 = arith.mulf %parallel_loop3A_133, %parallel_loop3A_162 : vector<16xf32>
      tpu.vector_store_idx %arg6[%parallel_loop3A_72, %parallel_loop3A_125], %parallel_loop3A_164 : memref<128x128xf32, #tpu.memory_space<vmem>>[vector<16xi32>, vector<16xi32>], vector<16xf32>,
      %parallel_loop3A_165 = arith.mulf %parallel_loop3A_134, %parallel_loop3A_162 : vector<16xf32>
      tpu.vector_store_idx %arg6[%parallel_loop3A_72, %parallel_loop3A_128], %parallel_loop3A_165 : memref<128x128xf32, #tpu.memory_space<vmem>>[vector<16xi32>, vector<16xi32>], vector<16xf32>,
      %parallel_loop3A_166 = arith.mulf %parallel_loop3A_135, %parallel_loop3A_162 : vector<16xf32>
      tpu.vector_store_idx %arg6[%parallel_loop3A_72, %parallel_loop3A_131], %parallel_loop3A_166 : memref<128x128xf32, #tpu.memory_space<vmem>>[vector<16xi32>, vector<16xi32>], vector<16xf32>,
    } {sc.loop_unroll_factor = 1 : i64, sc.parallel_access}
    %add3A_32 = arith.constant 0 : i32
    %add3A_33 = arith.addi %mul3A_2, %add3A_32 : i32
    %dma_start3A_34 = arith.constant 0 : i32
    %dma_start3A_35 = arith.constant 0 : i32
    %dma_start3A_36 = tpu.memref_slice %arg6[%dma_start3A_34, %dma_start3A_35] : memref<128x128xf32, #tpu.memory_space<vmem>> -> memref<64x128xf32, #tpu.memory_space<vmem>>
    %dma_start3A_37 = arith.constant 0 : i32
    %dma_start3A_38 = tpu.memref_slice %arg4[%add3A_33, %dma_start3A_37] : memref<4096x128xf32, #tpu.memory_space<hbm>> -> memref<64x128xf32, #tpu.memory_space<hbm>>
    %dma_start3A_39 = arith.constant 0 : i32
    %dma_start3A_40 = tpu.memref_slice %arg4[%add3A_33, %dma_start3A_39] : memref<4096x128xf32, #tpu.memory_space<hbm>> -> memref<64x128xf32, #tpu.memory_space<hbm>>
    %dma_start3A_41 = arith.constant 0 : i32
    %dma_start3A_42 = arith.constant 0 : i32
    %dma_start3A_43 = tpu.memref_slice %arg6[%dma_start3A_41, %dma_start3A_42] : memref<128x128xf32, #tpu.memory_space<vmem>> -> memref<64x128xf32, #tpu.memory_space<vmem>>
    tpu.enqueue_dma source(%dma_start3A_43 : memref<64x128xf32, #tpu.memory_space<vmem>>) target(%dma_start3A_40 : memref<64x128xf32, #tpu.memory_space<hbm>>) target_semaphore(%arg9 : memref<!tpu.dma_semaphore, #tpu.memory_space<semaphore_mem>>)
    %dma_wait3A_44 = arith.constant 0 : i32
    %dma_wait3A_45 = arith.constant 0 : i32
    %dma_wait3A_46 = tpu.memref_slice %arg6[%dma_wait3A_44, %dma_wait3A_45] : memref<128x128xf32, #tpu.memory_space<vmem>> -> memref<64x128xf32, #tpu.memory_space<vmem>>
    %dma_wait3A_47 = arith.constant 0 : i32
    %dma_wait3A_48 = tpu.memref_slice %arg5[%dma_wait3A_47] : memref<128xi32, #tpu.memory_space<vmem>> -> memref<64xi32, #tpu.memory_space<vmem>>
    %dma_wait3A_49 = arith.constant 0 : i32
    %dma_wait3A_50 = arith.constant 0 : i32
    %dma_wait3A_51 = tpu.memref_slice %arg3[%dma_wait3A_49, %dma_wait3A_50] : memref<100000x128xf32, #tpu.memory_space<hbm>> -> memref<100000x128xf32, #tpu.memory_space<hbm>>
    tpu.wait_indirect_dma semaphore(%arg8 : memref<!tpu.dma_semaphore, #tpu.memory_space<semaphore_mem>>) src(%dma_wait3A_51 : memref<100000x128xf32, #tpu.memory_space<hbm>>) dst(%dma_wait3A_46 : memref<64x128xf32, #tpu.memory_space<vmem>>)
    %parallel_loop3A_52 = arith.constant 64 : i32
    %parallel_loop3A_53 = arith.constant 128 : i32
    %parallel_loop3A_54 = arith.constant 1 : i32
    scf.for %parallel_loop3A_71 = %parallel_loop3A_52 to %parallel_loop3A_53 step %parallel_loop3A_54  : i32 {
      %parallel_loop3A_72 = vector.broadcast %parallel_loop3A_71 : i32 to vector<16xi32>
      %parallel_loop3A_73 = arith.constant 0 : i32
      %parallel_loop3A_74 = vector.broadcast %parallel_loop3A_73 : i32 to vector<16xi32>
      %parallel_loop3A_75 = arith.addi %parallel_loop3A_74, %mul3A_22 : vector<16xi32>
      %parallel_loop3A_76 = arith.constant 1 : i32
      %parallel_loop3A_77 = vector.broadcast %parallel_loop3A_76 : i32 to vector<16xi32>
      %parallel_loop3A_78 = arith.addi %parallel_loop3A_75, %parallel_loop3A_77 : vector<16xi32>
      %parallel_loop3A_79 = arith.constant 2 : i32
      %parallel_loop3A_80 = vector.broadcast %parallel_loop3A_79 : i32 to vector<16xi32>
      %parallel_loop3A_81 = arith.addi %parallel_loop3A_75, %parallel_loop3A_80 : vector<16xi32>
      %parallel_loop3A_82 = arith.constant 3 : i32
      %parallel_loop3A_83 = vector.broadcast %parallel_loop3A_82 : i32 to vector<16xi32>
      %parallel_loop3A_84 = arith.addi %parallel_loop3A_75, %parallel_loop3A_83 : vector<16xi32>
      %parallel_loop3A_85 = tpu.vector_load_idx %arg6[%parallel_loop3A_72, %parallel_loop3A_75] : memref<128x128xf32, #tpu.memory_space<vmem>>[vector<16xi32>, vector<16xi32>], vector<16xf32>,
      %parallel_loop3A_86 = tpu.vector_load_idx %arg6[%parallel_loop3A_72, %parallel_loop3A_78] : memref<128x128xf32, #tpu.memory_space<vmem>>[vector<16xi32>, vector<16xi32>], vector<16xf32>,
      %parallel_loop3A_87 = tpu.vector_load_idx %arg6[%parallel_loop3A_72, %parallel_loop3A_81] : memref<128x128xf32, #tpu.memory_space<vmem>>[vector<16xi32>, vector<16xi32>], vector<16xf32>,
      %parallel_loop3A_88 = tpu.vector_load_idx %arg6[%parallel_loop3A_72, %parallel_loop3A_84] : memref<128x128xf32, #tpu.memory_space<vmem>>[vector<16xi32>, vector<16xi32>], vector<16xf32>,
      %parallel_loop3A_89 = arith.mulf %parallel_loop3A_85, %parallel_loop3A_85 : vector<16xf32>
      %parallel_loop3A_90 = arith.mulf %parallel_loop3A_86, %parallel_loop3A_86 : vector<16xf32>
      %parallel_loop3A_91 = arith.addf %parallel_loop3A_89, %parallel_loop3A_90 : vector<16xf32>
      %parallel_loop3A_92 = arith.mulf %parallel_loop3A_87, %parallel_loop3A_87 : vector<16xf32>
      %parallel_loop3A_93 = arith.addf %parallel_loop3A_91, %parallel_loop3A_92 : vector<16xf32>
      %parallel_loop3A_94 = arith.mulf %parallel_loop3A_88, %parallel_loop3A_88 : vector<16xf32>
      %parallel_loop3A_95 = arith.addf %parallel_loop3A_93, %parallel_loop3A_94 : vector<16xf32>
      %parallel_loop3A_96 = arith.constant 1.000000e-24 : f32
      %parallel_loop3A_97 = vector.broadcast %parallel_loop3A_96 : f32 to vector<16xf32>
      %parallel_loop3A_98 = arith.maximumf %parallel_loop3A_95, %parallel_loop3A_97 : vector<16xf32>
      %parallel_loop3A_99 = tpu.bitcast %parallel_loop3A_98 : vector<16xf32> -> vector<16xi32>
      %parallel_loop3A_100 = arith.constant 1 : i32
      %parallel_loop3A_101 = vector.broadcast %parallel_loop3A_100 : i32 to vector<16xi32>
      %parallel_loop3A_102 = arith.shrsi %parallel_loop3A_99, %parallel_loop3A_101 : vector<16xi32>
      %parallel_loop3A_103 = arith.constant 1597463007 : i32
      %parallel_loop3A_104 = vector.broadcast %parallel_loop3A_103 : i32 to vector<16xi32>
      %parallel_loop3A_105 = arith.subi %parallel_loop3A_104, %parallel_loop3A_102 : vector<16xi32>
      %parallel_loop3A_106 = tpu.bitcast %parallel_loop3A_105 : vector<16xi32> -> vector<16xf32>
      %parallel_loop3A_107 = arith.constant 5.000000e-01 : f32
      %parallel_loop3A_108 = vector.broadcast %parallel_loop3A_107 : f32 to vector<16xf32>
      %parallel_loop3A_109 = arith.mulf %parallel_loop3A_98, %parallel_loop3A_108 : vector<16xf32>
      %parallel_loop3A_110 = arith.mulf %parallel_loop3A_109, %parallel_loop3A_106 : vector<16xf32>
      %parallel_loop3A_111 = arith.mulf %parallel_loop3A_110, %parallel_loop3A_106 : vector<16xf32>
      %parallel_loop3A_112 = arith.constant 1.500000e+00 : f32
      %parallel_loop3A_113 = vector.broadcast %parallel_loop3A_112 : f32 to vector<16xf32>
      %parallel_loop3A_114 = arith.subf %parallel_loop3A_113, %parallel_loop3A_111 : vector<16xf32>
      %parallel_loop3A_115 = arith.mulf %parallel_loop3A_106, %parallel_loop3A_114 : vector<16xf32>
      %parallel_loop3A_116 = arith.mulf %parallel_loop3A_85, %parallel_loop3A_115 : vector<16xf32>
      tpu.vector_store_idx %arg6[%parallel_loop3A_72, %parallel_loop3A_75], %parallel_loop3A_116 : memref<128x128xf32, #tpu.memory_space<vmem>>[vector<16xi32>, vector<16xi32>], vector<16xf32>,
      %parallel_loop3A_117 = arith.mulf %parallel_loop3A_86, %parallel_loop3A_115 : vector<16xf32>
      tpu.vector_store_idx %arg6[%parallel_loop3A_72, %parallel_loop3A_78], %parallel_loop3A_117 : memref<128x128xf32, #tpu.memory_space<vmem>>[vector<16xi32>, vector<16xi32>], vector<16xf32>,
      %parallel_loop3A_118 = arith.mulf %parallel_loop3A_87, %parallel_loop3A_115 : vector<16xf32>
      tpu.vector_store_idx %arg6[%parallel_loop3A_72, %parallel_loop3A_81], %parallel_loop3A_118 : memref<128x128xf32, #tpu.memory_space<vmem>>[vector<16xi32>, vector<16xi32>], vector<16xf32>,
      %parallel_loop3A_119 = arith.mulf %parallel_loop3A_88, %parallel_loop3A_115 : vector<16xf32>
      tpu.vector_store_idx %arg6[%parallel_loop3A_72, %parallel_loop3A_84], %parallel_loop3A_119 : memref<128x128xf32, #tpu.memory_space<vmem>>[vector<16xi32>, vector<16xi32>], vector<16xf32>,
      %parallel_loop3A_120 = arith.constant 64 : i32
      %parallel_loop3A_121 = vector.broadcast %parallel_loop3A_120 : i32 to vector<16xi32>
      %parallel_loop3A_122 = arith.addi %parallel_loop3A_121, %mul3A_22 : vector<16xi32>
      %parallel_loop3A_123 = arith.constant 1 : i32
      %parallel_loop3A_124 = vector.broadcast %parallel_loop3A_123 : i32 to vector<16xi32>
      %parallel_loop3A_125 = arith.addi %parallel_loop3A_122, %parallel_loop3A_124 : vector<16xi32>
      %parallel_loop3A_126 = arith.constant 2 : i32
      %parallel_loop3A_127 = vector.broadcast %parallel_loop3A_126 : i32 to vector<16xi32>
      %parallel_loop3A_128 = arith.addi %parallel_loop3A_122, %parallel_loop3A_127 : vector<16xi32>
      %parallel_loop3A_129 = arith.constant 3 : i32
      %parallel_loop3A_130 = vector.broadcast %parallel_loop3A_129 : i32 to vector<16xi32>
      %parallel_loop3A_131 = arith.addi %parallel_loop3A_122, %parallel_loop3A_130 : vector<16xi32>
      %parallel_loop3A_132 = tpu.vector_load_idx %arg6[%parallel_loop3A_72, %parallel_loop3A_122] : memref<128x128xf32, #tpu.memory_space<vmem>>[vector<16xi32>, vector<16xi32>], vector<16xf32>,
      %parallel_loop3A_133 = tpu.vector_load_idx %arg6[%parallel_loop3A_72, %parallel_loop3A_125] : memref<128x128xf32, #tpu.memory_space<vmem>>[vector<16xi32>, vector<16xi32>], vector<16xf32>,
      %parallel_loop3A_134 = tpu.vector_load_idx %arg6[%parallel_loop3A_72, %parallel_loop3A_128] : memref<128x128xf32, #tpu.memory_space<vmem>>[vector<16xi32>, vector<16xi32>], vector<16xf32>,
      %parallel_loop3A_135 = tpu.vector_load_idx %arg6[%parallel_loop3A_72, %parallel_loop3A_131] : memref<128x128xf32, #tpu.memory_space<vmem>>[vector<16xi32>, vector<16xi32>], vector<16xf32>,
      %parallel_loop3A_136 = arith.mulf %parallel_loop3A_132, %parallel_loop3A_132 : vector<16xf32>
      %parallel_loop3A_137 = arith.mulf %parallel_loop3A_133, %parallel_loop3A_133 : vector<16xf32>
      %parallel_loop3A_138 = arith.addf %parallel_loop3A_136, %parallel_loop3A_137 : vector<16xf32>
      %parallel_loop3A_139 = arith.mulf %parallel_loop3A_134, %parallel_loop3A_134 : vector<16xf32>
      %parallel_loop3A_140 = arith.addf %parallel_loop3A_138, %parallel_loop3A_139 : vector<16xf32>
      %parallel_loop3A_141 = arith.mulf %parallel_loop3A_135, %parallel_loop3A_135 : vector<16xf32>
      %parallel_loop3A_142 = arith.addf %parallel_loop3A_140, %parallel_loop3A_141 : vector<16xf32>
      %parallel_loop3A_143 = arith.constant 1.000000e-24 : f32
      %parallel_loop3A_144 = vector.broadcast %parallel_loop3A_143 : f32 to vector<16xf32>
      %parallel_loop3A_145 = arith.maximumf %parallel_loop3A_142, %parallel_loop3A_144 : vector<16xf32>
      %parallel_loop3A_146 = tpu.bitcast %parallel_loop3A_145 : vector<16xf32> -> vector<16xi32>
      %parallel_loop3A_147 = arith.constant 1 : i32
      %parallel_loop3A_148 = vector.broadcast %parallel_loop3A_147 : i32 to vector<16xi32>
      %parallel_loop3A_149 = arith.shrsi %parallel_loop3A_146, %parallel_loop3A_148 : vector<16xi32>
      %parallel_loop3A_150 = arith.constant 1597463007 : i32
      %parallel_loop3A_151 = vector.broadcast %parallel_loop3A_150 : i32 to vector<16xi32>
      %parallel_loop3A_152 = arith.subi %parallel_loop3A_151, %parallel_loop3A_149 : vector<16xi32>
      %parallel_loop3A_153 = tpu.bitcast %parallel_loop3A_152 : vector<16xi32> -> vector<16xf32>
      %parallel_loop3A_154 = arith.constant 5.000000e-01 : f32
      %parallel_loop3A_155 = vector.broadcast %parallel_loop3A_154 : f32 to vector<16xf32>
      %parallel_loop3A_156 = arith.mulf %parallel_loop3A_145, %parallel_loop3A_155 : vector<16xf32>
      %parallel_loop3A_157 = arith.mulf %parallel_loop3A_156, %parallel_loop3A_153 : vector<16xf32>
      %parallel_loop3A_158 = arith.mulf %parallel_loop3A_157, %parallel_loop3A_153 : vector<16xf32>
      %parallel_loop3A_159 = arith.constant 1.500000e+00 : f32
      %parallel_loop3A_160 = vector.broadcast %parallel_loop3A_159 : f32 to vector<16xf32>
      %parallel_loop3A_161 = arith.subf %parallel_loop3A_160, %parallel_loop3A_158 : vector<16xf32>
      %parallel_loop3A_162 = arith.mulf %parallel_loop3A_153, %parallel_loop3A_161 : vector<16xf32>
      %parallel_loop3A_163 = arith.mulf %parallel_loop3A_132, %parallel_loop3A_162 : vector<16xf32>
      tpu.vector_store_idx %arg6[%parallel_loop3A_72, %parallel_loop3A_122], %parallel_loop3A_163 : memref<128x128xf32, #tpu.memory_space<vmem>>[vector<16xi32>, vector<16xi32>], vector<16xf32>,
      %parallel_loop3A_164 = arith.mulf %parallel_loop3A_133, %parallel_loop3A_162 : vector<16xf32>
      tpu.vector_store_idx %arg6[%parallel_loop3A_72, %parallel_loop3A_125], %parallel_loop3A_164 : memref<128x128xf32, #tpu.memory_space<vmem>>[vector<16xi32>, vector<16xi32>], vector<16xf32>,
      %parallel_loop3A_165 = arith.mulf %parallel_loop3A_134, %parallel_loop3A_162 : vector<16xf32>
      tpu.vector_store_idx %arg6[%parallel_loop3A_72, %parallel_loop3A_128], %parallel_loop3A_165 : memref<128x128xf32, #tpu.memory_space<vmem>>[vector<16xi32>, vector<16xi32>], vector<16xf32>,
      %parallel_loop3A_166 = arith.mulf %parallel_loop3A_135, %parallel_loop3A_162 : vector<16xf32>
      tpu.vector_store_idx %arg6[%parallel_loop3A_72, %parallel_loop3A_131], %parallel_loop3A_166 : memref<128x128xf32, #tpu.memory_space<vmem>>[vector<16xi32>, vector<16xi32>], vector<16xf32>,
    } {sc.loop_unroll_factor = 1 : i64, sc.parallel_access}
    %add3A_55 = arith.constant 64 : i32
    %add3A_56 = arith.addi %mul3A_2, %add3A_55 : i32
    %dma_start3A_57 = arith.constant 64 : i32
    %dma_start3A_58 = arith.constant 0 : i32
    %dma_start3A_59 = tpu.memref_slice %arg6[%dma_start3A_57, %dma_start3A_58] : memref<128x128xf32, #tpu.memory_space<vmem>> -> memref<64x128xf32, #tpu.memory_space<vmem>>
    %dma_start3A_60 = arith.constant 0 : i32
    %dma_start3A_61 = tpu.memref_slice %arg4[%add3A_56, %dma_start3A_60] : memref<4096x128xf32, #tpu.memory_space<hbm>> -> memref<64x128xf32, #tpu.memory_space<hbm>>
    %dma_start3A_62 = arith.constant 0 : i32
    %dma_start3A_63 = tpu.memref_slice %arg4[%add3A_56, %dma_start3A_62] : memref<4096x128xf32, #tpu.memory_space<hbm>> -> memref<64x128xf32, #tpu.memory_space<hbm>>
    %dma_start3A_64 = arith.constant 64 : i32
    %dma_start3A_65 = arith.constant 0 : i32
    %dma_start3A_66 = tpu.memref_slice %arg6[%dma_start3A_64, %dma_start3A_65] : memref<128x128xf32, #tpu.memory_space<vmem>> -> memref<64x128xf32, #tpu.memory_space<vmem>>
    tpu.enqueue_dma source(%dma_start3A_66 : memref<64x128xf32, #tpu.memory_space<vmem>>) target(%dma_start3A_63 : memref<64x128xf32, #tpu.memory_space<hbm>>) target_semaphore(%arg9 : memref<!tpu.dma_semaphore, #tpu.memory_space<semaphore_mem>>)
    %dma_wait3A_67 = arith.constant 0 : i32
    %dma_wait3A_68 = tpu.memref_slice %arg4[%mul3A_2, %dma_wait3A_67] : memref<4096x128xf32, #tpu.memory_space<hbm>> -> memref<128x128xf32, #tpu.memory_space<hbm>>
    %dma_wait3A_69 = arith.constant 0 : i32
    %dma_wait3A_70 = tpu.memref_slice %arg4[%mul3A_2, %dma_wait3A_69] : memref<4096x128xf32, #tpu.memory_space<hbm>> -> memref<128x128xf32, #tpu.memory_space<hbm>>
    tpu.wait_dma2 semaphore(%arg9 : memref<!tpu.dma_semaphore, #tpu.memory_space<semaphore_mem>>) src(%arg6 : memref<128x128xf32, #tpu.memory_space<vmem>>) dst(%dma_wait3A_70 : memref<128x128xf32, #tpu.memory_space<hbm>>)
    return
  }
}

</mosaic_0001>

<sc_bundles>
// kernel: _run.3.cloned.1.call-start
scs
__scs_entry_jumppad:
0x0: {  	(pc) =	sbr.rel $0x88, $3  }
0x1: {  	(tag) =	ssettag $0x0;
	lr =	simm.s32 $0x1  }
0x2: {  	[smem:$0x3F9F] =	sst lr;
	_ =	strace $0xD0000000  }
0x3: {  	_ = 	snop  }
0x4: {  	_ = 	snop  }
0x5: {  	_ = 	snop  }
0x6: {  	_ = 	snop  }
0x7: {  	_ = 	snop  }
__scs_overlays_trampoline_lowered:
0x8: {  	[smem:$0x3FAE] =	sst s0  }
0x9: {  	[smem:$0x3FAF] =	sst s1  }
0xa: {  	[smem:$0x3FB0] =	sst s2  }
0xb: {  	[smem:$0x3FB1] =	sst s3  }
0xc: {  	[smem:$0x3FB2] =	sst s4  }
0xd: {  	[smem:$0x3FB3] =	sst s5  }
0xe: {  	[smem:$0x3FB4] =	sst s6  }
0xf: {  	[smem:$0x3FB5] =	sst s7  }
0x10: {  	[smem:$0x3FB6] =	sst s8  }
0x11: {  	[smem:$0x3FB7] =	sst s9;
	s0 =	simm.s32 @!p0 $0x0  }
0x12: {  	s1 =	sld [smem:$0x3F9D];
	s0 =	simm.s32 @p0 $0x1  }
0x13: {  	[smem:$0x3FB8] =	sst s0;
	s0 =	simm.s32 @!p1 $0x0  }
0x14: {  	s2 =	sld [smem:$0x3F9C];
	s0 =	simm.s32 @p1 $0x1  }
0x15: {  	[smem:$0x3FB9] =	sst s0;
	s0 =	simm.s32 @!p2 $0x0  }
0x16: {  	s3 =	sld [smem:$0x3FDB];
	s0 =	simm.s32 @p2 $0x1  }
0x17: {  	s4 =	simm.s32 $0x1BF5;
	[smem:$0x3FBB] =	sst s0  }
0x18: {  	s0 =	sld [smem:$0x3F9E];
	_ =	swait.ge [sflag:s4], $0x0  }
0x19: {  	s7 =	sld [smem:$0x3F9F]  }
0x1a: {  	s8 =	sadd.s32 $0xFFFFE003, lr  }
0x1b: {  	s9 =	sadd.s32 $0xFFFFFEF7, lr;
	s5 =	simm.s32 $0xFFFFFFFF;
	p2 =	slt.u32 s8, $0xFFFFF086  }
0x1c: {  	p1 =	slt.u32 s9, $0xF7A;
	s5 =	simm.s32 @!p2 $0x0  }
0x1d: {  	s5 =	simm.s32 @p1 $0x1;
	p0 =	seq.s32 s7, s2  }
0x1e: {  	s7 =	smul.u32 @!p0 $0xF7A, s2;
	p2 =	seq.s32 @!p0 s5, $0x0  }
0x1f: {  	s9 =	smul.u32 $0xF7A, s1;
	s8 =	simm.s32 @!p0 $0x1BF5;
	p2 =	por !p2, p0  }
0x20: {  	[sflag:s8] =	ssyncset.s32 @!p0 $0xFFFFF086;
	s6 =	sadd.s32 @!p0 s3, s7;
	s7 =	simm.s32 @!p0 $0x108  }
0x21: {  	s3 =	sadd.s32 s3, s9;
	s6 =	sadd.s32 @!p0 $0x88, s6;
	s7 =	simm.s32 @p2 $0x1082  }
0x22: {  	[simem:s7], [sflag:s8] =	dma.local @!p0 [hbm:s6], $0xF7A  }
0x23: {  	s9 =	sor.u32 $0xD0000000, s2;
	s6 =	simm.s32 $0x108;
	_ =	swait.ge @!p0 [sflag:s8], $0x0  }
0x24: {  	s3 =	sadd.s32 $0x88, s3;
	s6 =	simm.s32 @!p1 $0x1082;
	[sflag:s4] =	ssyncset.s32 $0xFFFFF086  }
0x25: {  	[simem:s6], [sflag:s4] =	dma.local [hbm:s3], $0xF7A  }
0x26: {  	[smem:$0x3F9F] =	sst s1;
	(tag) =	ssettag s2;
	_ =	strace s9  }
0x27: {  	s1 =	sld [smem:$0x3FAF]  }
0x28: {  	s2 =	sld [smem:$0x3FB0]  }
0x29: {  	s4 =	sld [smem:$0x3FB2]  }
0x2a: {  	p0 =	seq.s32 s5, $0x0;
	s5 =	sld [smem:$0x3FB3]  }
0x2b: {  	s6 =	sld [smem:$0x3FB4]  }
0x2c: {  	s7 =	sld [smem:$0x3FB5]  }
0x2d: {  	s3 =	simm.s32 $0x108;
	s8 =	sld [smem:$0x3FB6]  }
0x2e: {  	s3 =	simm.s32 @!p0 $0x1082;
	s9 =	sld [smem:$0x3FB7]  }
0x2f: {  	lr =	sadd.s32 s0, s3;
	s0 =	sld [smem:$0x3FAE]  }
0x30: {  	s3 =	sld [smem:$0x3FB1]  }
0x31: {  	[smem:$0x3FBA] =	sst s10  }
0x32: {  	s10 =	sld [smem:$0x3FB8];
	_ =	sdelay $0x3  }
0x33: {  	p0 =	seq.s32 s10, $0x1;
	s10 =	sld [smem:$0x3FBA];
	_ =	sdelay $0x3  }
0x34: {  	[smem:$0x3FBA] =	sst s10  }
0x35: {  	s10 =	sld [smem:$0x3FB9];
	_ =	sdelay $0x3  }
0x36: {  	p1 =	seq.s32 s10, $0x1;
	s10 =	sld [smem:$0x3FBA];
	_ =	sdelay $0x3  }
0x37: {  	[smem:$0x3FBA] =	sst s10  }
0x38: {  	s10 =	sld [smem:$0x3FBB]  }
0x39: {  	_ = 	snop;
	(pc) =	sbr.ind lr, $3  }
0x3a: {  	_ = 	snop  }
0x3b: {  	_ = 	snop  }
0x3c: {  	p2 =	seq.s32 s10, $0x1;
	s10 =	sld [smem:$0x3FBA]  }
0x3d: {  	_ =	shalt  }
0x3e: {  	_ =	shalt  }
0x3f: {  	_ =	shalt  }
0x40: {  	_ =	shalt  }
0x41: {  	_ =	shalt  }
0x42: {  	_ =	shalt  }
0x43: {  	_ =	shalt  }
0x44: {  	_ =	shalt  }
0x45: {  	_ =	shalt  }
0x46: {  	_ =	shalt  }
0x47: {  	_ =	shalt  }
0x48: {  	_ =	shalt  }
0x49: {  	_ =	shalt  }
0x4a: {  	_ =	shalt  }
0x4b: {  	_ =	shalt  }
0x4c: {  	_ =	shalt  }
0x4d: {  	_ =	shalt  }
0x4e: {  	_ =	shalt  }
0x4f: {  	_ =	shalt  }
0x50: {  	_ =	shalt  }
0x51: {  	_ =	shalt  }
0x52: {  	_ =	shalt  }
0x53: {  	_ =	shalt  }
0x54: {  	_ =	shalt  }
0x55: {  	_ =	shalt  }
0x56: {  	_ =	shalt  }
0x57: {  	_ =	shalt  }
0x58: {  	_ =	shalt  }
0x59: {  	_ =	shalt  }
0x5a: {  	_ =	shalt  }
0x5b: {  	_ =	shalt  }
0x5c: {  	_ =	shalt  }
0x5d: {  	_ =	shalt  }
0x5e: {  	_ =	shalt  }
0x5f: {  	_ =	shalt  }
0x60: {  	_ =	shalt  }
0x61: {  	_ =	shalt  }
0x62: {  	_ =	shalt  }
0x63: {  	_ =	shalt  }
0x64: {  	_ =	shalt  }
0x65: {  	_ =	shalt  }
0x66: {  	_ =	shalt  }
0x67: {  	_ =	shalt  }
0x68: {  	_ =	shalt  }
0x69: {  	_ =	shalt  }
0x6a: {  	_ =	shalt  }
0x6b: {  	_ =	shalt  }
0x6c: {  	_ =	shalt  }
0x6d: {  	_ =	shalt  }
0x6e: {  	_ =	shalt  }
0x6f: {  	_ =	shalt  }
0x70: {  	_ =	shalt  }
0x71: {  	_ =	shalt  }
0x72: {  	_ =	shalt  }
0x73: {  	_ =	shalt  }
0x74: {  	_ =	shalt  }
0x75: {  	_ =	shalt  }
0x76: {  	_ =	shalt  }
0x77: {  	_ =	shalt  }
0x78: {  	_ =	shalt  }
0x79: {  	_ =	shalt  }
0x7a: {  	_ =	shalt  }
0x7b: {  	_ =	shalt  }
0x7c: {  	_ =	shalt  }
0x7d: {  	_ =	shalt  }
0x7e: {  	_ =	shalt  }
0x7f: {  	_ =	shalt  }
0x80: {  	_ =	shalt  }
0x81: {  	_ =	shalt  }
0x82: {  	_ =	shalt  }
0x83: {  	_ =	shalt  }
0x84: {  	_ =	shalt  }
0x85: {  	_ =	shalt  }
0x86: {  	_ =	shalt  }
0x87: {  	_ =	shalt  }
.Lfunc_end0:
.L_simem_size_0:
called_computation_lowered:
.L_overlay_start_0:
0x88: {  	s2 =	sld [smem:$0x3FD9]  }
0x89: {  	s3 =	sld [smem:$0x3FFE];
	_ =	sdelay $0x1  }
0x8a: {  	s1 =	srdreg.scid  }
0x8b: {  	s0 =	sand.u32 $0x1, s1  }
0x8c: {  	s18 =	sshll.u32 s0, $0xA;
	s2 =	sadd.s32 s3, s2  }
0x8d: {  	s2 =	sadd.s32 s2, s18  }
0x8e: {  	[smem:$0x3FC6] =	sst s2  }
0x8f: {  	_ = 	snop  }
0x90: {  	s2 =	sld [smem:$0x3FC9]  }
0x91: {  	s19 =	sld [smem:$0x3FC8]  }
0x92: {  	s4 =	sld [smem:$0x3FD0];
	(tm) =	ssettm $0x1  }
0x93: {  	s5 =	sld [smem:$0x3FFB];
	_ =	sdelay $0x3  }
0x94: {  	_ =	strace s5  }
0x95: {  	s5 =	sld [smem:$0x3FFC];
	_ =	sdelay $0x3  }
0x96: {  	_ =	strace s5  }
0x97: {  	s5 =	sld [smem:$0x3FFD];
	_ =	sdelay $0x3  }
0x98: {  	_ =	strace s5  }
0x99: {  	_ =	strace $0x8FFFFFFF  }
0x9a: {  	s20 =	sld [smem:$0x3FDB];
	_ =	sdelay $0x1  }
0x9b: {  	s6 =	simm.s32 $_scs_section_size  }
0x9c: {  	s7 =	simm.s32 $_size__tile_overlayer_lowered;
	s8 =	simm.s32 $_tile_overlayer_lowered  }
0x9d: {  	s23 =	simm.s32 $0x1BFF;
	s22 =	sshll.u32 s8, $0x1;
	s5 =	sadd.s32 s6, s20  }
0x9e: {  	s9 =	simm.s32 $0x0;
	s21 =	sshll.u32 s7, $0x1;
	s7 =	sadd.s32 s22, s5  }
0x9f: {  	[timem:s9], [sflag:s23] =	dma.local [hbm:s7], s21  }
0xa0: {  	_ =	swait.ge [sflag:s23], s21  }
0xa1: {  	s6 =	ssub.s32 $0x0, s21;
	[sflag:s23] =	ssyncset.done $0x0  }
0xa2: {  	[sflag:s23] =	ssyncadd.s32 s6;
	_ =	sdelay $0x1  }
0xa3: {  	s24 =	simm.s32 $0x1B8B  }
0xa4: {  	_ =	swait.ge [sflag:s24], $0x1  }
0xa5: {  	[sflag:s24] =	ssyncset.done $0x0  }
0xa6: {  	s25 =	simm.s32 $0x1B8E;
	[sflag:s24] =	ssyncadd.s32 $0xFFFFFFFF  }
0xa7: {  	s26 =	simm.s32 $execute0_lowered;
	[smem:$0x3FD2] =	sst s25  }
0xa8: {  	s6 =	sshll.u32 s26, $0x1;
	_ =	strace $0x80000046;
	[dreg:$0x1] =	wrdreg $0xFFFFFFFF  }
0xa9: {  	s28 =	simm.s32 $_size_execute0_lowered;
	s5 =	sadd.s32 s5, s6;
	[dreg:$0x0] =	wrdreg $0x0  }
0xaa: {  	s6 =	sshll.u32 s28, $0x1;
	[dreg:$0x2] =	wrdreg s5  }
0xab: {  	[dreg:$0x3] =	wrdreg s6  }
0xac: {  	[dreg:$0x4] =	wrdreg $0xC0  }
0xad: {  	_ =	task [dreg:s9], $0x5FFFF  }
0xae: {  	[dreg:$0x1] =	wrdreg $0xFFFFFFFF  }
0xaf: {  	[dreg:$0x0] =	wrdreg $0x60  }
0xb0: {  	[dreg:$0x2] =	wrdreg s2  }
0xb1: {  	[dreg:$0x3] =	wrdreg s19  }
0xb2: {  	[dreg:$0x4] =	wrdreg s4  }
0xb3: {  	[dreg:$0x5] =	wrdreg $0x9  }
0xb4: {  	_ =	task.clear_ibuf [dreg:s9], $0x6FFFF;
	_ =	strace $0x90000046  }
0xb5: {  	s29 =	simm.s32 $0x9;
	_ =	strace $0x80000048  }
0xb6: {  	_ =	swait.ge [sflag:s29], $0x1  }
0xb7: {  	[sflag:s29] =	ssyncadd.s32 $0xFFFFFFFF  }
0xb8: {  	_ =	strace $0x90000048  }
0xb9: {  	_ =	sfence  }
0xba: {  	s30 =	sld [smem:$0x0];
	_ =	sdelay $0x2  }
0xbb: {  	s31 =	sshll.u32 s1, $0xD;
	s1 =	sshrl.u32 s1, $0x2  }
0xbc: {  	s3 =	sand.u32 $0x4000, s31;
	s1 =	sadd.s32 s1, s30  }
0xbd: {  	s0 =	sor.u32 s3, s0;
	s1 =	sshll.u32 s1, $0x11  }
0xbe: {  	s0 =	sor.u32 s1, s0  }
0xbf: {  	s0 =	sadd.s32 $0x8F2B, s0  }
0xc0: {  	[sflag:s0] =	ssyncadd.remote.s32 $0x1  }
0xc1: {  	_ =	sfence.sel $0xFFFF  }
0xc2: {  	[dreg:$0x0] =	wrdreg $0xFFFFFFFF;
	(pc) =	sbr.abs _section_cstart, $3  }
0xc3: {  	[dreg:$0x1] =	wrdreg $0xFFFFFFFF  }
0xc4: {  	_ =	task.clear_ibuf [dreg:s9], $0x2FFFF;
	_ =	strace $0x9FFFFFFF  }
0xc5: {  	(tm) =	ssettm $0x7FFFFFFF  }
tec
execute0_lowered:
.L_overlay_start_1:
0x0: {  	(tag) =	ssettag $0x1  }
0x1: {  	s5 =	rddreg [dreg:$0x0]  }
0x2: {  	s2 =	rddreg [dreg:$0x1]  }
0x3: {  	s7 =	rddreg [dreg:$0x2];
	s3 =	srdreg.scid  }
0x4: {  	s0 =	rddreg [dreg:$0x3];
	s1 =	stileid.u32;
	s11 =	simm.s32 $0x80  }
0x5: {  	s12 =	simm.s32 $0x2080;
	s13 =	simm.s32 $0x1;
	s14 =	simm.s32 $0x2  }
0x6: {  	s15 =	simm.s32 $0x3;
	s16 =	simm.s32 $0x0;
	s4 =	sand.u32 $0x1, s3  }
0x7: {  	s3 =	simm.s32 $0x0;
	s6 =	sshll.u32 s1, $0x8;
	s8 =	sshll.u32 s4, $0x7  }
0x8: {  	v0 =	vlaneseq.u32;
	[smem:$0x7FF] =	sst s3;
	s4 =	ssub.s32 $0x2, s4;
	s6 =	sor.u32 s8, s6  }
0x9: {  	v0 =	vmul.u32 $0x4, v0;
	_ =	strace $0x80000047;
	s30 =	sshrl.u32 s4, $0x1;
	s9 =	sshrl.u32 s6, $0x3  }
0xa: {  	s8 =	ssub.s32 s4, s30;
	s31 =	sor.u32 $0x40, s6;
	s6 =	sshll.u32 s6, $0x4  }
0xb: {  	v1 =	vor.u32 $0x1, v0;
	s4 =	sadd.s32 s5, s9;
	s10 =	sshrl.u32 s31, $0x3;
	s9 =	sshll.u32 s31, $0x4  }
0xc: {  	v2 =	vor.u32 $0x2, v0;
	v3 =	vor.u32 $0x3, v0;
	v4 =	vor.u32 $0x40, v0;
	s6 =	sadd.s32 s7, s6;
	s8 =	smax.u32 s8, $0x1;
	s5 =	sadd.s32 s5, s10  }
0xd: {  	v5 =	vor.u32 $0x41, v0;
	v6 =	vor.u32 $0x42, v0;
	v7 =	vor.u32 $0x43, v0;
	s7 =	sadd.s32 s7, s9;
	s9 =	simm.s32 $0x4;
	s10 =	simm.s32 $0x40  }
.LBB2_1:
0xe: {  	[tilespmem:s3], [sflag:$0x4] =	stream.linear.gather [hbm4b:s4+s3], $0x40, $0x38;
	[tilespmem:$0x4080] =	vst v63  }
0xf: {  	_ =	swait.ge [sflag:s9], $0x40  }
0x10: {  	[sflag:s9] =	ssyncset.done $0x0  }
0x11: {  	[sflag:s9] =	ssyncadd.s32 $0xFFFFFFC0  }
0x12: {  	[tilespmem:s11], [sflag:$0x1] =	stream.indirect.gather [hbm4b:s2+s10], $0x80, s3, s10, $0xb8;
	[tilespmem:$0x4080] =	vst v63  }
0x13: {  	_ = 	snop  }
0x14: {  	[tilespmem:s10], [sflag:$0x4] =	stream.linear.gather [hbm4b:s5+s3], $0x40, $0x38;
	[tilespmem:$0x4080] =	vst v63  }
0x15: {  	_ =	swait.ge [sflag:s9], $0x40  }
0x16: {  	s18 =	simm.s32 $0x0;
	[sflag:s9] =	ssyncset.done $0x0  }
0x17: {  	v9 =	vor.u32 s18, v0;
	[sflag:s9] =	ssyncadd.s32 $0xFFFFFFC0  }
0x18: {  	v11 =	vor.u32 s18, v1;
	[tilespmem:s12], [sflag:$0x2] =	stream.indirect.gather [hbm4b:s2+s10], $0x80, s10, s10, $0xb8;
	[tilespmem:$0x4080] =	vst v63  }
0x19: {  	_ =	swait.ge [sflag:s13], $0x2000  }
0x1a: {  	v12 =	vor.u32 s18, v2;
	[sflag:s13] =	ssyncset.done $0x0  }
0x1b: {  	[sflag:s13] =	ssyncadd.s32 $0xFFFFE000  }
0x1c: {  	v13 =	vor.u32 s18, v3;
	v8 =	vld.idx.msk [tilespmem:v9+s11+$0x0], $0xffff  }
0x1d: {  	v10 =	vld.idx.msk [tilespmem:v11+s11+$0x0], $0xffff;
	_ =	sdelay $0x1  }
0x1e: {  	v14 =	vld.idx.msk [tilespmem:v12+s11+$0x0], $0xffff;
	_ =	sdelay $0x1  }
0x1f: {  	v15 =	vld.idx.msk [tilespmem:v13+s11+$0x0], $0xffff  }
0x20: {  	v16 =	vmul.f32 v8, v8;
	v17 =	vmul.f32 v10, v10;
	_ =	sdelay $0x1  }
0x21: {  	v18 =	vmul.f32 v14, v14;
	v16 =	vadd.f32 v17, v16;
	_ =	sdelay $0x1  }
0x22: {  	v17 =	vmul.f32 v15, v15;
	v16 =	vadd.f32 v18, v16  }
0x23: {  	s19 =	simm.s32 $0x80  }
0x24: {  	v18 =	vor.u32 s19, v0;
	v16 =	vadd.f32 v17, v16  }
0x25: {  	v17 =	vor.u32 s19, v1  }
0x26: {  	v16 =	vmax.f32 v16, $1.000000020e-24  }
0x27: {  	v21 =	vor.u32 s19, v2;
	v19 =	vshra.s32 v16, $0x1;
	v16 =	vmul.f32 $5.000000000e-01, v16  }
0x28: {  	v29 =	vor.u32 s19, v3;
	v19 =	vsub.s32 $0x5F3759DF, v19  }
0x29: {  	v25 =	vld.idx.msk [tilespmem:v18+s11+$0x0], $0xffff;
	v16 =	vmul.f32 v19, v16  }
0x2a: {  	v31 =	vld.idx.msk [tilespmem:v17+s11+$0x0], $0xffff  }
0x2b: {  	v16 =	vmul.f32 v19, v16  }
0x2c: {  	v33 =	vld.idx.msk [tilespmem:v21+s11+$0x0], $0xffff  }
0x2d: {  	v35 =	vld.idx.msk [tilespmem:v29+s11+$0x0], $0xffff;
	v16 =	vsub.f32 $1.500000000e+00, v16  }
0x2e: {  	v20 =	vmul.f32 v25, v25  }
0x2f: {  	v22 =	vmul.f32 v31, v31;
	v16 =	vmul.f32 v19, v16;
	_ =	sdelay $0x1  }
0x30: {  	v19 =	vmul.f32 v33, v33;
	v20 =	vadd.f32 v22, v20;
	v22 =	vmul.f32 v16, v8  }
0x31: {  	v23 =	vmul.f32 v35, v35;
	v8 =	vor.u32 s18, v4;
	v24 =	vmul.f32 v16, v10  }
0x32: {  	s17 =	simm.s32 $0x100;
	v10 =	vor.u32 s18, v5;
	v14 =	vmul.f32 v16, v14;
	v20 =	vadd.f32 v19, v20;
	[tilespmem:v9+s11+$0x0] =	vst.idx.msk $0xffff, v22  }
0x33: {  	v19 =	vor.u32 s17, v0;
	[tilespmem:v11+s11+$0x0] =	vst.idx.msk $0xffff, v24;
	v11 =	vmul.f32 v16, v15  }
0x34: {  	v9 =	vor.u32 s18, v6;
	[tilespmem:v12+s11+$0x0] =	vst.idx.msk $0xffff, v14;
	v12 =	vadd.f32 v23, v20  }
0x35: {  	v20 =	vor.u32 s17, v1;
	[tilespmem:v13+s11+$0x0] =	vst.idx.msk $0xffff, v11  }
0x36: {  	v13 =	vor.u32 s18, v7;
	v37 =	vld.idx.msk [tilespmem:v8+s11+$0x0], $0xffff;
	v11 =	vmax.f32 v12, $1.000000020e-24  }
0x37: {  	v26 =	vor.u32 s17, v3;
	v40 =	vld.idx.msk [tilespmem:v10+s11+$0x0], $0xffff;
	v12 =	vshra.s32 v11, $0x1;
	v11 =	vmul.f32 $5.000000000e-01, v11  }
0x38: {  	v24 =	vor.u32 s17, v2;
	v27 =	vld.idx.msk [tilespmem:v19+s11+$0x0], $0xffff;
	v12 =	vsub.s32 $0x5F3759DF, v12  }
0x39: {  	v23 =	vld.idx.msk [tilespmem:v9+s11+$0x0], $0xffff;
	v11 =	vmul.f32 v12, v11  }
0x3a: {  	v30 =	vld.idx.msk [tilespmem:v20+s11+$0x0], $0xffff  }
0x3b: {  	v22 =	vld.idx.msk [tilespmem:v13+s11+$0x0], $0xffff;
	v11 =	vmul.f32 v12, v11  }
0x3c: {  	v32 =	vld.idx.msk [tilespmem:v26+s11+$0x0], $0xffff;
	v14 =	vmul.f32 v37, v37;
	v15 =	vmul.f32 v40, v40  }
0x3d: {  	v34 =	vld.idx.msk [tilespmem:v24+s11+$0x0], $0xffff  }
0x3e: {  	v16 =	vmul.f32 v23, v23;
	v11 =	vsub.f32 $1.500000000e+00, v11;
	v14 =	vadd.f32 v15, v14  }
0x3f: {  	v15 =	vmul.f32 v27, v27;
	v36 =	vmul.f32 v30, v30  }
0x40: {  	s18 =	simm.s32 $0x180;
	v38 =	vmul.f32 v12, v11;
	v11 =	vadd.f32 v16, v14;
	v14 =	vmul.f32 v22, v22  }
0x41: {  	v39 =	vmul.f32 v32, v32;
	v28 =	vor.u32 s18, v0;
	v12 =	vor.u32 s19, v4  }
0x42: {  	v16 =	vmul.f32 v34, v34;
	v15 =	vadd.f32 v36, v15;
	v14 =	vadd.f32 v14, v11  }
0x43: {  	v59 =	vmul.f32 v38, v25;
	v25 =	vor.u32 s18, v1;
	v31 =	vmul.f32 v38, v31  }
0x44: {  	v11 =	vor.u32 s19, v5;
	v15 =	vadd.f32 v16, v15;
	v14 =	vmax.f32 v14, $1.000000020e-24  }
0x45: {  	v16 =	vmul.f32 v38, v33;
	[tilespmem:v18+s11+$0x0] =	vst.idx.msk $0xffff, v59;
	v18 =	vshra.s32 v14, $0x1;
	v60 =	vmul.f32 $5.000000000e-01, v14  }
0x46: {  	v14 =	vor.u32 s19, v6;
	[tilespmem:v17+s11+$0x0] =	vst.idx.msk $0xffff, v31;
	v17 =	vmul.f32 v38, v35;
	v61 =	vsub.s32 $0x5F3759DF, v18  }
0x47: {  	v33 =	vld.idx.msk [tilespmem:v28+s11+$0x0], $0xffff;
	[tilespmem:v21+s11+$0x0] =	vst.idx.msk $0xffff, v16;
	v18 =	vadd.f32 v39, v15;
	v21 =	vmul.f32 v61, v60  }
0x48: {  	v35 =	vld.idx.msk [tilespmem:v25+s11+$0x0], $0xffff;
	[tilespmem:v29+s11+$0x0] =	vst.idx.msk $0xffff, v17  }
0x49: {  	v15 =	vor.u32 s19, v7;
	v16 =	vld.idx.msk [tilespmem:v12+s11+$0x0], $0xffff;
	v18 =	vmax.f32 v18, $1.000000020e-24;
	v21 =	vmul.f32 v61, v21  }
0x4a: {  	v29 =	vor.u32 s18, v2;
	v17 =	vld.idx.msk [tilespmem:v11+s11+$0x0], $0xffff;
	v62 =	vshra.s32 v18, $0x1;
	v63 =	vmul.f32 $5.000000000e-01, v18  }
0x4b: {  	v31 =	vor.u32 s18, v3;
	v18 =	vld.idx.msk [tilespmem:v14+s11+$0x0], $0xffff;
	v42 =	vsub.s32 $0x5F3759DF, v62;
	v21 =	vsub.f32 $1.500000000e+00, v21  }
0x4c: {  	v41 =	vmul.f32 v33, v33;
	v36 =	vmul.f32 v42, v63  }
0x4d: {  	v45 =	vmul.f32 v35, v35;
	v38 =	vmul.f32 v61, v21  }
0x4e: {  	v21 =	vld.idx.msk [tilespmem:v15+s11+$0x0], $0xffff;
	v43 =	vmul.f32 v42, v36;
	v44 =	vmul.f32 v16, v16  }
0x4f: {  	v36 =	vld.idx.msk [tilespmem:v29+s11+$0x0], $0xffff;
	v46 =	vmul.f32 v17, v17;
	v39 =	vmul.f32 v38, v37  }
0x50: {  	s19 =	simm.s32 $0x4;
	v37 =	vld.idx.msk [tilespmem:v31+s11+$0x0], $0xffff;
	v47 =	vsub.f32 $1.500000000e+00, v43;
	v43 =	vmul.f32 v18, v18;
	v40 =	vmul.f32 v38, v40  }
.LBB2_2:
0x51: {  	p0 =	sne.s32 s19, $0x3F;
	v44 =	vadd.f32 v46, v44;
	[tilespmem:v8+s11+$0x0] =	vst.idx.msk $0xffff, v39;
	v23 =	vmul.f32 v38, v23;
	v8 =	vmov v12  }
0x52: {  	v39 =	vmul.f32 v42, v47;
	v42 =	vor.u32 s17, v6;
	[tilespmem:v10+s11+$0x0] =	vst.idx.msk $0xffff, v40;
	v10 =	vmul.f32 v38, v22  }
0x53: {  	s20 =	sshll.u32 s19, $0x7;
	v12 =	vor.u32 s17, v4;
	v38 =	vmul.f32 v21, v21;
	v22 =	vadd.f32 v43, v44;
	[tilespmem:v9+s11+$0x0] =	vst.idx.msk $0xffff, v23  }
0x54: {  	v40 =	vor.u32 s20, v1;
	v23 =	vor.u32 s20, v0;
	v43 =	vmul.f32 v36, v36;
	v9 =	vmovc v14;
	[tilespmem:v13+s11+$0x0] =	vst.idx.msk $0xffff, v10  }
0x55: {  	v14 =	vmovc v42;
	v13 =	vadd.f32 v45, v41;
	v41 =	vmul.f32 v39, v27;
	v22 =	vadd.f32 v38, v22  }
0x56: {  	v30 =	vmul.f32 v39, v30;
	v27 =	vmovc v33;
	v38 =	vmul.f32 v37, v37;
	v10 =	vmovc v11;
	v11 =	vor.u32 s17, v5  }
0x57: {  	v34 =	vmul.f32 v39, v34;
	v13 =	vadd.f32 v43, v13;
	[tilespmem:v19+s11+$0x0] =	vst.idx.msk $0xffff, v41;
	v33 =	vmax.f32 v22, $1.000000020e-24  }
0x58: {  	v22 =	vmul.f32 v39, v32;
	v19 =	vmovc v28;
	[tilespmem:v20+s11+$0x0] =	vst.idx.msk $0xffff, v30;
	v32 =	vshra.s32 v33, $0x1;
	v41 =	vmul.f32 $5.000000000e-01, v33  }
0x59: {  	v28 =	vmovc v23;
	v20 =	vmov v25;
	v25 =	vmov v40;
	v33 =	vld.idx.msk [tilespmem:v23+s11+$0x0], $0xffff;
	[tilespmem:v24+s11+$0x0] =	vst.idx.msk $0xffff, v34;
	v39 =	vsub.s32 $0x5F3759DF, v32  }
0x5a: {  	v44 =	vadd.f32 v38, v13;
	v40 =	vld.idx.msk [tilespmem:v40+s11+$0x0], $0xffff;
	[tilespmem:v26+s11+$0x0] =	vst.idx.msk $0xffff, v22;
	v41 =	vmul.f32 v39, v41  }
0x5b: {  	v30 =	vmovc v35;
	v24 =	vmovc v29;
	v23 =	vmov v18;
	v13 =	vmov v15;
	v15 =	vor.u32 s17, v7;
	s17 =	smov.u32 s18;
	s18 =	smov.u32 s20;
	v43 =	vld.idx.msk [tilespmem:v12+s11+$0x0], $0xffff  }
0x5c: {  	v18 =	vmax.f32 v44, $1.000000020e-24;
	v26 =	vmovc v31;
	v29 =	vor.u32 s18, v2;
	v22 =	vmovc v21;
	v48 =	vld.idx.msk [tilespmem:v11+s11+$0x0], $0xffff;
	v35 =	vmul.f32 v39, v41  }
0x5d: {  	v34 =	vmovc v36;
	v21 =	vshra.s32 v18, $0x1;
	v38 =	vmul.f32 $5.000000000e-01, v18;
	v32 =	vmov v37;
	v18 =	vld.idx.msk [tilespmem:v42+s11+$0x0], $0xffff  }
0x5e: {  	v31 =	vor.u32 s18, v3;
	v42 =	vsub.s32 $0x5F3759DF, v21;
	v36 =	vsub.f32 $1.500000000e+00, v35  }
.Ltmp0:
0x5f: {  	v41 =	vmul.f32 v33, v33;
	v37 =	vmul.f32 v42, v38;
	(pc) =	sbr.rel @p0 .LBB2_2-.Ltmp0, $4  }
0x60: {  	v45 =	vmul.f32 v40, v40;
	v21 =	vld.idx.msk [tilespmem:v15+s11+$0x0], $0xffff;
	v38 =	vmul.f32 v39, v36;
	v35 =	vmov v40  }
0x61: {  	v40 =	vmul.f32 v42, v37;
	v44 =	vmul.f32 v43, v43;
	v36 =	vld.idx.msk [tilespmem:v29+s11+$0x0], $0xffff  }
0x62: {  	v46 =	vmul.f32 v48, v48;
	v39 =	vmul.f32 v38, v16;
	v16 =	vmov v43  }
0x63: {  	s19 =	sadd.s32 $0x1, s19;
	v47 =	vsub.f32 $1.500000000e+00, v40;
	v43 =	vmul.f32 v18, v18;
	v40 =	vmul.f32 v38, v17;
	v17 =	vmovc v48;
	v37 =	vld.idx.msk [tilespmem:v31+s11+$0x0], $0xffff  }
0x64: {  	_ =	sdelay $0x1  }
0x65: {  	v41 =	vadd.f32 v45, v41;
	v63 =	vmul.f32 v36, v36;
	_ =	sdelay $0x1  }
0x66: {  	v41 =	vadd.f32 v63, v41;
	v48 =	vmul.f32 v37, v37;
	_ =	sdelay $0x1  }
0x67: {  	v41 =	vadd.f32 v48, v41;
	_ =	sdelay $0x1  }
0x68: {  	v41 =	vmax.f32 v41, $1.000000020e-24  }
0x69: {  	v49 =	vshra.s32 v41, $0x1;
	v41 =	vmul.f32 $5.000000000e-01, v41  }
0x6a: {  	v45 =	vsub.s32 $0x5F3759DF, v49  }
0x6b: {  	v41 =	vmul.f32 v45, v41;
	_ =	sdelay $0x1  }
0x6c: {  	v42 =	vmul.f32 v42, v47;
	v41 =	vmul.f32 v45, v41;
	_ =	sdelay $0x1  }
0x6d: {  	v27 =	vmul.f32 v42, v27;
	v41 =	vsub.f32 $1.500000000e+00, v41  }
0x6e: {  	v47 =	vor.u32 s17, v4;
	v30 =	vmul.f32 v42, v30  }
0x6f: {  	[tilespmem:v19+s11+$0x0] =	vst.idx.msk $0xffff, v27;
	v19 =	vor.u32 s17, v5;
	v27 =	vmul.f32 v42, v34;
	v50 =	vmul.f32 v45, v41  }
0x70: {  	[tilespmem:v20+s11+$0x0] =	vst.idx.msk $0xffff, v30;
	v20 =	vmul.f32 v42, v32;
	v41 =	vor.u32 s17, v6  }
0x71: {  	[tilespmem:v24+s11+$0x0] =	vst.idx.msk $0xffff, v27;
	v24 =	vor.u32 s17, v7;
	v27 =	vmul.f32 v50, v33  }
0x72: {  	[tilespmem:v26+s11+$0x0] =	vst.idx.msk $0xffff, v20;
	v20 =	vor.u32 s18, v4;
	v26 =	vmul.f32 v50, v35  }
0x73: {  	v32 =	vor.u32 s18, v5;
	v30 =	vld.idx.msk [tilespmem:v47+s11+$0x0], $0xffff;
	[tilespmem:v28+s11+$0x0] =	vst.idx.msk $0xffff, v27;
	v27 =	vmul.f32 v50, v36  }
0x74: {  	v33 =	vld.idx.msk [tilespmem:v19+s11+$0x0], $0xffff;
	v28 =	vadd.f32 v46, v44;
	[tilespmem:v25+s11+$0x0] =	vst.idx.msk $0xffff, v26;
	v25 =	vmul.f32 v50, v37  }
0x75: {  	v51 =	vor.u32 s18, v6;
	v26 =	vld.idx.msk [tilespmem:v41+s11+$0x0], $0xffff;
	[tilespmem:v29+s11+$0x0] =	vst.idx.msk $0xffff, v27  }
0x76: {  	v27 =	vadd.f32 v43, v28;
	v28 =	vmul.f32 v21, v21;
	v29 =	vld.idx.msk [tilespmem:v24+s11+$0x0], $0xffff;
	[tilespmem:v31+s11+$0x0] =	vst.idx.msk $0xffff, v25  }
0x77: {  	v31 =	vor.u32 s18, v7;
	v25 =	vld.idx.msk [tilespmem:v20+s11+$0x0], $0xffff  }
0x78: {  	v27 =	vadd.f32 v28, v27;
	v28 =	vld.idx.msk [tilespmem:v32+s11+$0x0], $0xffff  }
0x79: {  	v52 =	vmul.f32 v30, v30;
	v53 =	vmul.f32 v33, v33  }
0x7a: {  	v54 =	vld.idx.msk [tilespmem:v51+s11+$0x0], $0xffff;
	v27 =	vmax.f32 v27, $1.000000020e-24  }
0x7b: {  	v35 =	vadd.f32 v53, v52;
	v56 =	vmul.f32 v26, v26;
	v55 =	vshra.s32 v27, $0x1  }
0x7c: {  	v27 =	vmul.f32 $5.000000000e-01, v27;
	v58 =	vmul.f32 v29, v29;
	v57 =	vsub.s32 $0x5F3759DF, v55;
	v59 =	vld.idx.msk [tilespmem:v31+s11+$0x0], $0xffff  }
0x7d: {  	v35 =	vadd.f32 v56, v35;
	v60 =	vmul.f32 v25, v25;
	v61 =	vmul.f32 v28, v28  }
0x7e: {  	v27 =	vmul.f32 v57, v27  }
0x7f: {  	v62 =	vmul.f32 v54, v54;
	v35 =	vadd.f32 v58, v35;
	v43 =	vadd.f32 v61, v60  }
0x80: {  	v27 =	vmul.f32 v57, v27  }
0x81: {  	v35 =	vmax.f32 v35, $1.000000020e-24;
	v42 =	vadd.f32 v62, v43;
	v63 =	vmul.f32 v59, v59  }
0x82: {  	v48 =	vshra.s32 v35, $0x1;
	v35 =	vmul.f32 $5.000000000e-01, v35  }
0x83: {  	v27 =	vsub.f32 $1.500000000e+00, v27;
	v45 =	vsub.s32 $0x5F3759DF, v48;
	v42 =	vadd.f32 v63, v42  }
0x84: {  	v35 =	vmul.f32 v45, v35  }
0x85: {  	v23 =	vmul.f32 v38, v23;
	v27 =	vmul.f32 v57, v27;
	v49 =	vmax.f32 v42, $1.000000020e-24  }
0x86: {  	[tilespmem:v8+s11+$0x0] =	vst.idx.msk $0xffff, v39;
	v8 =	vmul.f32 v45, v35;
	v50 =	vshra.s32 v49, $0x1;
	v36 =	vmul.f32 $5.000000000e-01, v49  }
0x87: {  	[tilespmem:v10+s11+$0x0] =	vst.idx.msk $0xffff, v40;
	v10 =	vmul.f32 v38, v22;
	v22 =	vsub.s32 $0x5F3759DF, v50  }
0x88: {  	[tilespmem:v9+s11+$0x0] =	vst.idx.msk $0xffff, v23;
	v9 =	vmul.f32 v27, v16;
	v8 =	vsub.f32 $1.500000000e+00, v8;
	v16 =	vmul.f32 v22, v36  }
0x89: {  	[tilespmem:v13+s11+$0x0] =	vst.idx.msk $0xffff, v10;
	v10 =	vmul.f32 v27, v17;
	v13 =	vmul.f32 v27, v18  }
0x8a: {  	[tilespmem:v12+s11+$0x0] =	vst.idx.msk $0xffff, v9;
	v8 =	vmul.f32 v45, v8;
	v9 =	vmul.f32 v22, v16  }
0x8b: {  	[tilespmem:v11+s11+$0x0] =	vst.idx.msk $0xffff, v10;
	v10 =	vmul.f32 v27, v21  }
0x8c: {  	[tilespmem:v14+s11+$0x0] =	vst.idx.msk $0xffff, v13;
	v11 =	vmul.f32 v8, v30;
	v9 =	vsub.f32 $1.500000000e+00, v9  }
0x8d: {  	[tilespmem:v15+s11+$0x0] =	vst.idx.msk $0xffff, v10;
	v10 =	vmul.f32 v8, v33  }
0x8e: {  	[tilespmem:v47+s11+$0x0] =	vst.idx.msk $0xffff, v11;
	v11 =	vmul.f32 v8, v26;
	v9 =	vmul.f32 v22, v9  }
0x8f: {  	v8 =	vmul.f32 v8, v29;
	[tilespmem:v19+s11+$0x0] =	vst.idx.msk $0xffff, v10  }
0x90: {  	[tilespmem:v41+s11+$0x0] =	vst.idx.msk $0xffff, v11;
	v10 =	vmul.f32 v9, v25  }
0x91: {  	[tilespmem:v24+s11+$0x0] =	vst.idx.msk $0xffff, v8;
	v8 =	vmul.f32 v9, v28  }
0x92: {  	[tilespmem:v20+s11+$0x0] =	vst.idx.msk $0xffff, v10;
	v10 =	vmul.f32 v9, v54  }
0x93: {  	[tilespmem:v32+s11+$0x0] =	vst.idx.msk $0xffff, v8;
	v8 =	vmul.f32 v9, v59  }
0x94: {  	s31 =	simm.s32 $0x2000;
	[tilespmem:v51+s11+$0x0] =	vst.idx.msk $0xffff, v10  }
0x95: {  	v9 =	vor.u32 s31, v0;
	[tilespmem:v31+s11+$0x0] =	vst.idx.msk $0xffff, v8  }
0x96: {  	v11 =	vor.u32 s31, v1;
	[hbm4b:s6+s3] =	stream.linear.scatter [tilespmem:s11], [sflag:$0x3], $0x2000, $0x38;
	[tilespmem:$0x4080] =	vst v63  }
0x97: {  	_ =	swait.ge [sflag:s14], $0x2000  }
0x98: {  	v12 =	vor.u32 s31, v2;
	[sflag:s14] =	ssyncset.done $0x0  }
0x99: {  	[sflag:s14] =	ssyncadd.s32 $0xFFFFE000  }
0x9a: {  	v13 =	vor.u32 s31, v3;
	v8 =	vld.idx.msk [tilespmem:v9+s11+$0x0], $0xffff  }
0x9b: {  	v10 =	vld.idx.msk [tilespmem:v11+s11+$0x0], $0xffff;
	_ =	sdelay $0x1  }
0x9c: {  	v14 =	vld.idx.msk [tilespmem:v12+s11+$0x0], $0xffff;
	_ =	sdelay $0x1  }
0x9d: {  	v15 =	vld.idx.msk [tilespmem:v13+s11+$0x0], $0xffff  }
0x9e: {  	v16 =	vmul.f32 v8, v8;
	v17 =	vmul.f32 v10, v10;
	_ =	sdelay $0x1  }
0x9f: {  	v18 =	vmul.f32 v14, v14;
	v16 =	vadd.f32 v17, v16;
	_ =	sdelay $0x1  }
0xa0: {  	v17 =	vmul.f32 v15, v15;
	v16 =	vadd.f32 v18, v16  }
0xa1: {  	s19 =	simm.s32 $0x2080  }
0xa2: {  	v18 =	vor.u32 s19, v0;
	v16 =	vadd.f32 v17, v16  }
0xa3: {  	v17 =	vor.u32 s19, v1  }
0xa4: {  	v16 =	vmax.f32 v16, $1.000000020e-24  }
0xa5: {  	v21 =	vor.u32 s19, v2;
	v19 =	vshra.s32 v16, $0x1;
	v16 =	vmul.f32 $5.000000000e-01, v16  }
0xa6: {  	v29 =	vor.u32 s19, v3;
	v19 =	vsub.s32 $0x5F3759DF, v19  }
0xa7: {  	v25 =	vld.idx.msk [tilespmem:v18+s11+$0x0], $0xffff;
	v16 =	vmul.f32 v19, v16  }
0xa8: {  	v31 =	vld.idx.msk [tilespmem:v17+s11+$0x0], $0xffff  }
0xa9: {  	v16 =	vmul.f32 v19, v16  }
0xaa: {  	v51 =	vld.idx.msk [tilespmem:v21+s11+$0x0], $0xffff  }
0xab: {  	v52 =	vld.idx.msk [tilespmem:v29+s11+$0x0], $0xffff;
	v16 =	vsub.f32 $1.500000000e+00, v16  }
0xac: {  	v20 =	vmul.f32 v25, v25  }
0xad: {  	v22 =	vmul.f32 v31, v31;
	v16 =	vmul.f32 v19, v16;
	_ =	sdelay $0x1  }
0xae: {  	v19 =	vmul.f32 v51, v51;
	v20 =	vadd.f32 v22, v20;
	v22 =	vmul.f32 v16, v8  }
0xaf: {  	v23 =	vmul.f32 v52, v52;
	v8 =	vor.u32 s31, v4;
	v24 =	vmul.f32 v16, v10  }
0xb0: {  	s17 =	simm.s32 $0x2100;
	v10 =	vor.u32 s31, v5;
	v14 =	vmul.f32 v16, v14;
	v20 =	vadd.f32 v19, v20;
	[tilespmem:v9+s11+$0x0] =	vst.idx.msk $0xffff, v22  }
0xb1: {  	v19 =	vor.u32 s17, v0;
	[tilespmem:v11+s11+$0x0] =	vst.idx.msk $0xffff, v24;
	v11 =	vmul.f32 v16, v15  }
0xb2: {  	v9 =	vor.u32 s31, v6;
	[tilespmem:v12+s11+$0x0] =	vst.idx.msk $0xffff, v14;
	v12 =	vadd.f32 v23, v20  }
0xb3: {  	v20 =	vor.u32 s17, v1;
	[tilespmem:v13+s11+$0x0] =	vst.idx.msk $0xffff, v11  }
0xb4: {  	v13 =	vor.u32 s31, v7;
	v53 =	vld.idx.msk [tilespmem:v8+s11+$0x0], $0xffff;
	v11 =	vmax.f32 v12, $1.000000020e-24  }
0xb5: {  	v26 =	vor.u32 s17, v3;
	v54 =	vld.idx.msk [tilespmem:v10+s11+$0x0], $0xffff;
	v12 =	vshra.s32 v11, $0x1;
	v11 =	vmul.f32 $5.000000000e-01, v11  }
0xb6: {  	v24 =	vor.u32 s17, v2;
	v27 =	vld.idx.msk [tilespmem:v19+s11+$0x0], $0xffff;
	v12 =	vsub.s32 $0x5F3759DF, v12  }
0xb7: {  	v23 =	vld.idx.msk [tilespmem:v9+s11+$0x0], $0xffff;
	v11 =	vmul.f32 v12, v11  }
0xb8: {  	v30 =	vld.idx.msk [tilespmem:v20+s11+$0x0], $0xffff  }
0xb9: {  	v22 =	vld.idx.msk [tilespmem:v13+s11+$0x0], $0xffff;
	v11 =	vmul.f32 v12, v11  }
0xba: {  	v32 =	vld.idx.msk [tilespmem:v26+s11+$0x0], $0xffff;
	v14 =	vmul.f32 v53, v53;
	v15 =	vmul.f32 v54, v54  }
0xbb: {  	v34 =	vld.idx.msk [tilespmem:v24+s11+$0x0], $0xffff  }
0xbc: {  	v16 =	vmul.f32 v23, v23;
	v11 =	vsub.f32 $1.500000000e+00, v11;
	v14 =	vadd.f32 v15, v14  }
0xbd: {  	v15 =	vmul.f32 v27, v27;
	v55 =	vmul.f32 v30, v30  }
0xbe: {  	s18 =	simm.s32 $0x2180;
	v56 =	vmul.f32 v12, v11;
	v11 =	vadd.f32 v16, v14;
	v14 =	vmul.f32 v22, v22  }
0xbf: {  	v28 =	vor.u32 s18, v0;
	v58 =	vmul.f32 v32, v32;
	v12 =	vor.u32 s19, v4  }
0xc0: {  	v16 =	vmul.f32 v34, v34;
	v15 =	vadd.f32 v55, v15;
	v14 =	vadd.f32 v14, v11  }
0xc1: {  	v57 =	vmul.f32 v56, v25;
	v25 =	vor.u32 s18, v1;
	v31 =	vmul.f32 v56, v31  }
0xc2: {  	v11 =	vor.u32 s19, v5;
	v15 =	vadd.f32 v16, v15;
	v14 =	vmax.f32 v14, $1.000000020e-24  }
0xc3: {  	v16 =	vmul.f32 v56, v51;
	[tilespmem:v18+s11+$0x0] =	vst.idx.msk $0xffff, v57;
	v18 =	vshra.s32 v14, $0x1;
	v59 =	vmul.f32 $5.000000000e-01, v14  }
0xc4: {  	v14 =	vor.u32 s19, v6;
	[tilespmem:v17+s11+$0x0] =	vst.idx.msk $0xffff, v31;
	v17 =	vmul.f32 v56, v52;
	v60 =	vsub.s32 $0x5F3759DF, v18  }
0xc5: {  	v33 =	vld.idx.msk [tilespmem:v28+s11+$0x0], $0xffff;
	[tilespmem:v21+s11+$0x0] =	vst.idx.msk $0xffff, v16;
	v18 =	vadd.f32 v58, v15;
	v21 =	vmul.f32 v60, v59  }
0xc6: {  	v35 =	vld.idx.msk [tilespmem:v25+s11+$0x0], $0xffff;
	[tilespmem:v29+s11+$0x0] =	vst.idx.msk $0xffff, v17  }
0xc7: {  	v15 =	vor.u32 s19, v7;
	v16 =	vld.idx.msk [tilespmem:v12+s11+$0x0], $0xffff;
	v18 =	vmax.f32 v18, $1.000000020e-24;
	v21 =	vmul.f32 v60, v21  }
0xc8: {  	v29 =	vor.u32 s18, v2;
	v17 =	vld.idx.msk [tilespmem:v11+s11+$0x0], $0xffff;
	v61 =	vshra.s32 v18, $0x1;
	v62 =	vmul.f32 $5.000000000e-01, v18  }
0xc9: {  	v31 =	vor.u32 s18, v3;
	v18 =	vld.idx.msk [tilespmem:v14+s11+$0x0], $0xffff;
	v42 =	vsub.s32 $0x5F3759DF, v61;
	v21 =	vsub.f32 $1.500000000e+00, v21  }
0xca: {  	v41 =	vmul.f32 v33, v33;
	v36 =	vmul.f32 v42, v62  }
0xcb: {  	v45 =	vmul.f32 v35, v35;
	v38 =	vmul.f32 v60, v21  }
0xcc: {  	v21 =	vld.idx.msk [tilespmem:v15+s11+$0x0], $0xffff;
	v63 =	vmul.f32 v42, v36;
	v44 =	vmul.f32 v16, v16  }
0xcd: {  	v36 =	vld.idx.msk [tilespmem:v29+s11+$0x0], $0xffff;
	v46 =	vmul.f32 v17, v17;
	v39 =	vmul.f32 v38, v53  }
0xce: {  	s19 =	simm.s32 $0x44;
	v37 =	vld.idx.msk [tilespmem:v31+s11+$0x0], $0xffff;
	v47 =	vsub.f32 $1.500000000e+00, v63;
	v43 =	vmul.f32 v18, v18;
	v40 =	vmul.f32 v38, v54  }
.LBB2_4:
0xcf: {  	p0 =	sne.s32 s19, $0x7F;
	v44 =	vadd.f32 v46, v44;
	[tilespmem:v8+s11+$0x0] =	vst.idx.msk $0xffff, v39;
	v23 =	vmul.f32 v38, v23;
	v8 =	vmov v12  }
0xd0: {  	v39 =	vmul.f32 v42, v47;
	v42 =	vor.u32 s17, v6;
	[tilespmem:v10+s11+$0x0] =	vst.idx.msk $0xffff, v40;
	v10 =	vmul.f32 v38, v22  }
0xd1: {  	s20 =	sshll.u32 s19, $0x7;
	v12 =	vor.u32 s17, v4;
	v38 =	vmul.f32 v21, v21;
	v22 =	vadd.f32 v43, v44;
	[tilespmem:v9+s11+$0x0] =	vst.idx.msk $0xffff, v23  }
0xd2: {  	v40 =	vor.u32 s20, v1;
	v23 =	vor.u32 s20, v0;
	v43 =	vmul.f32 v36, v36;
	v9 =	vmovc v14;
	[tilespmem:v13+s11+$0x0] =	vst.idx.msk $0xffff, v10  }
0xd3: {  	v14 =	vmovc v42;
	v13 =	vadd.f32 v45, v41;
	v41 =	vmul.f32 v39, v27;
	v22 =	vadd.f32 v38, v22  }
0xd4: {  	v30 =	vmul.f32 v39, v30;
	v27 =	vmovc v33;
	v38 =	vmul.f32 v37, v37;
	v10 =	vmovc v11;
	v11 =	vor.u32 s17, v5  }
0xd5: {  	v34 =	vmul.f32 v39, v34;
	v13 =	vadd.f32 v43, v13;
	[tilespmem:v19+s11+$0x0] =	vst.idx.msk $0xffff, v41;
	v33 =	vmax.f32 v22, $1.000000020e-24  }
0xd6: {  	v22 =	vmul.f32 v39, v32;
	v19 =	vmovc v28;
	[tilespmem:v20+s11+$0x0] =	vst.idx.msk $0xffff, v30;
	v32 =	vshra.s32 v33, $0x1;
	v41 =	vmul.f32 $5.000000000e-01, v33  }
0xd7: {  	v28 =	vmovc v23;
	v20 =	vmov v25;
	v25 =	vmov v40;
	v33 =	vld.idx.msk [tilespmem:v23+s11+$0x0], $0xffff;
	[tilespmem:v24+s11+$0x0] =	vst.idx.msk $0xffff, v34;
	v39 =	vsub.s32 $0x5F3759DF, v32  }
0xd8: {  	v44 =	vadd.f32 v38, v13;
	v40 =	vld.idx.msk [tilespmem:v40+s11+$0x0], $0xffff;
	[tilespmem:v26+s11+$0x0] =	vst.idx.msk $0xffff, v22;
	v41 =	vmul.f32 v39, v41  }
0xd9: {  	v30 =	vmovc v35;
	v24 =	vmovc v29;
	v23 =	vmov v18;
	v13 =	vmov v15;
	v15 =	vor.u32 s17, v7;
	s17 =	smov.u32 s18;
	s18 =	smov.u32 s20;
	v43 =	vld.idx.msk [tilespmem:v12+s11+$0x0], $0xffff  }
0xda: {  	v18 =	vmax.f32 v44, $1.000000020e-24;
	v26 =	vmovc v31;
	v29 =	vor.u32 s18, v2;
	v22 =	vmovc v21;
	v48 =	vld.idx.msk [tilespmem:v11+s11+$0x0], $0xffff;
	v35 =	vmul.f32 v39, v41  }
0xdb: {  	v34 =	vmovc v36;
	v21 =	vshra.s32 v18, $0x1;
	v38 =	vmul.f32 $5.000000000e-01, v18;
	v32 =	vmov v37;
	v18 =	vld.idx.msk [tilespmem:v42+s11+$0x0], $0xffff  }
0xdc: {  	v31 =	vor.u32 s18, v3;
	v42 =	vsub.s32 $0x5F3759DF, v21;
	v36 =	vsub.f32 $1.500000000e+00, v35  }
.Ltmp1:
0xdd: {  	v41 =	vmul.f32 v33, v33;
	v37 =	vmul.f32 v42, v38;
	(pc) =	sbr.rel @p0 .LBB2_4-.Ltmp1, $4  }
0xde: {  	v45 =	vmul.f32 v40, v40;
	v21 =	vld.idx.msk [tilespmem:v15+s11+$0x0], $0xffff;
	v38 =	vmul.f32 v39, v36;
	v35 =	vmov v40  }
0xdf: {  	v40 =	vmul.f32 v42, v37;
	v44 =	vmul.f32 v43, v43;
	v36 =	vld.idx.msk [tilespmem:v29+s11+$0x0], $0xffff  }
0xe0: {  	v46 =	vmul.f32 v48, v48;
	v39 =	vmul.f32 v38, v16;
	v16 =	vmov v43  }
0xe1: {  	s19 =	sadd.s32 $0x1, s19;
	v47 =	vsub.f32 $1.500000000e+00, v40;
	v43 =	vmul.f32 v18, v18;
	v40 =	vmul.f32 v38, v17;
	v17 =	vmovc v48;
	v37 =	vld.idx.msk [tilespmem:v31+s11+$0x0], $0xffff  }
0xe2: {  	_ =	sdelay $0x1  }
0xe3: {  	v41 =	vadd.f32 v45, v41;
	v59 =	vmul.f32 v36, v36;
	_ =	sdelay $0x1  }
0xe4: {  	v41 =	vadd.f32 v59, v41;
	v60 =	vmul.f32 v37, v37;
	_ =	sdelay $0x1  }
0xe5: {  	v41 =	vadd.f32 v60, v41;
	_ =	sdelay $0x1  }
0xe6: {  	v41 =	vmax.f32 v41, $1.000000020e-24  }
0xe7: {  	v61 =	vshra.s32 v41, $0x1;
	v41 =	vmul.f32 $5.000000000e-01, v41  }
0xe8: {  	v45 =	vsub.s32 $0x5F3759DF, v61  }
0xe9: {  	v41 =	vmul.f32 v45, v41;
	_ =	sdelay $0x1  }
0xea: {  	v42 =	vmul.f32 v42, v47;
	v41 =	vmul.f32 v45, v41;
	_ =	sdelay $0x1  }
0xeb: {  	v27 =	vmul.f32 v42, v27;
	v41 =	vsub.f32 $1.500000000e+00, v41  }
0xec: {  	v47 =	vor.u32 s17, v4;
	v30 =	vmul.f32 v42, v30  }
0xed: {  	v62 =	vmul.f32 v42, v34;
	[tilespmem:v19+s11+$0x0] =	vst.idx.msk $0xffff, v27;
	v19 =	vor.u32 s17, v5;
	v63 =	vmul.f32 v45, v41  }
0xee: {  	v42 =	vmul.f32 v42, v32;
	[tilespmem:v20+s11+$0x0] =	vst.idx.msk $0xffff, v30;
	v41 =	vor.u32 s17, v6  }
0xef: {  	[tilespmem:v24+s11+$0x0] =	vst.idx.msk $0xffff, v62;
	v24 =	vor.u32 s17, v7;
	v45 =	vmul.f32 v63, v33  }
0xf0: {  	v20 =	vor.u32 s18, v4;
	[tilespmem:v26+s11+$0x0] =	vst.idx.msk $0xffff, v42;
	v48 =	vmul.f32 v63, v35  }
0xf1: {  	v32 =	vor.u32 s18, v5;
	v30 =	vld.idx.msk [tilespmem:v47+s11+$0x0], $0xffff;
	v49 =	vmul.f32 v63, v36;
	[tilespmem:v28+s11+$0x0] =	vst.idx.msk $0xffff, v45  }
0xf2: {  	v50 =	vadd.f32 v46, v44;
	v33 =	vld.idx.msk [tilespmem:v19+s11+$0x0], $0xffff;
	v51 =	vmul.f32 v63, v37;
	[tilespmem:v25+s11+$0x0] =	vst.idx.msk $0xffff, v48  }
0xf3: {  	v34 =	vor.u32 s18, v6;
	v26 =	vld.idx.msk [tilespmem:v41+s11+$0x0], $0xffff;
	[tilespmem:v29+s11+$0x0] =	vst.idx.msk $0xffff, v49  }
0xf4: {  	v53 =	vmul.f32 v21, v21;
	v52 =	vadd.f32 v43, v50;
	v29 =	vld.idx.msk [tilespmem:v24+s11+$0x0], $0xffff;
	[tilespmem:v31+s11+$0x0] =	vst.idx.msk $0xffff, v51  }
0xf5: {  	v31 =	vor.u32 s18, v7;
	v25 =	vld.idx.msk [tilespmem:v20+s11+$0x0], $0xffff  }
0xf6: {  	v27 =	vadd.f32 v53, v52;
	v28 =	vld.idx.msk [tilespmem:v32+s11+$0x0], $0xffff  }
0xf7: {  	v54 =	vmul.f32 v30, v30;
	v55 =	vmul.f32 v33, v33  }
0xf8: {  	v27 =	vmax.f32 v27, $1.000000020e-24;
	v37 =	vld.idx.msk [tilespmem:v34+s11+$0x0], $0xffff  }
0xf9: {  	v56 =	vshra.s32 v27, $0x1;
	v35 =	vadd.f32 v55, v54;
	v57 =	vmul.f32 v26, v26  }
0xfa: {  	v27 =	vmul.f32 $5.000000000e-01, v27;
	v58 =	vsub.s32 $0x5F3759DF, v56;
	v59 =	vmul.f32 v29, v29;
	v44 =	vld.idx.msk [tilespmem:v31+s11+$0x0], $0xffff  }
0xfb: {  	v35 =	vadd.f32 v57, v35;
	v60 =	vmul.f32 v25, v25;
	v61 =	vmul.f32 v28, v28  }
0xfc: {  	v27 =	vmul.f32 v58, v27  }
0xfd: {  	v62 =	vmul.f32 v37, v37;
	v35 =	vadd.f32 v59, v35;
	v43 =	vadd.f32 v61, v60  }
0xfe: {  	v27 =	vmul.f32 v58, v27  }
0xff: {  	v35 =	vmax.f32 v35, $1.000000020e-24;
	v42 =	vadd.f32 v62, v43;
	v63 =	vmul.f32 v44, v44  }
0x100: {  	v48 =	vshra.s32 v35, $0x1;
	v35 =	vmul.f32 $5.000000000e-01, v35  }
0x101: {  	v27 =	vsub.f32 $1.500000000e+00, v27;
	v45 =	vsub.s32 $0x5F3759DF, v48;
	v42 =	vadd.f32 v63, v42  }
0x102: {  	v35 =	vmul.f32 v45, v35  }
0x103: {  	v23 =	vmul.f32 v38, v23;
	v27 =	vmul.f32 v58, v27;
	v49 =	vmax.f32 v42, $1.000000020e-24  }
0x104: {  	[tilespmem:v8+s11+$0x0] =	vst.idx.msk $0xffff, v39;
	v8 =	vmul.f32 v45, v35;
	v50 =	vshra.s32 v49, $0x1;
	v36 =	vmul.f32 $5.000000000e-01, v49  }
0x105: {  	[tilespmem:v10+s11+$0x0] =	vst.idx.msk $0xffff, v40;
	v53 =	vmul.f32 v27, v16;
	v52 =	vsub.s32 $0x5F3759DF, v50  }
0x106: {  	[tilespmem:v9+s11+$0x0] =	vst.idx.msk $0xffff, v23;
	v51 =	vmul.f32 v38, v22;
	v8 =	vsub.f32 $1.500000000e+00, v8;
	v54 =	vmul.f32 v52, v36  }
0x107: {  	v56 =	vmul.f32 v27, v18;
	[tilespmem:v12+s11+$0x0] =	vst.idx.msk $0xffff, v53;
	v55 =	vmul.f32 v27, v17  }
0x108: {  	[tilespmem:v13+s11+$0x0] =	vst.idx.msk $0xffff, v51;
	v8 =	vmul.f32 v45, v8;
	v57 =	vmul.f32 v52, v54  }
0x109: {  	v58 =	vmul.f32 v27, v21;
	[tilespmem:v11+s11+$0x0] =	vst.idx.msk $0xffff, v55  }
0x10a: {  	[tilespmem:v14+s11+$0x0] =	vst.idx.msk $0xffff, v56;
	v59 =	vmul.f32 v8, v30;
	v9 =	vsub.f32 $1.500000000e+00, v57  }
0x10b: {  	[tilespmem:v15+s11+$0x0] =	vst.idx.msk $0xffff, v58;
	v60 =	vmul.f32 v8, v33  }
0x10c: {  	v61 =	vmul.f32 v8, v26;
	[tilespmem:v47+s11+$0x0] =	vst.idx.msk $0xffff, v59;
	v9 =	vmul.f32 v52, v9  }
0x10d: {  	v8 =	vmul.f32 v8, v29;
	[tilespmem:v19+s11+$0x0] =	vst.idx.msk $0xffff, v60  }
0x10e: {  	[tilespmem:v41+s11+$0x0] =	vst.idx.msk $0xffff, v61;
	v62 =	vmul.f32 v9, v25  }
0x10f: {  	[tilespmem:v24+s11+$0x0] =	vst.idx.msk $0xffff, v8;
	v8 =	vmul.f32 v9, v28  }
0x110: {  	v63 =	vmul.f32 v9, v37;
	[tilespmem:v20+s11+$0x0] =	vst.idx.msk $0xffff, v62  }
0x111: {  	s16 =	sadd.s32 $0x1, s16;
	[tilespmem:v32+s11+$0x0] =	vst.idx.msk $0xffff, v8;
	v8 =	vmul.f32 v9, v44  }
0x112: {  	p0 =	sne.s32 s16, s8;
	[tilespmem:v34+s11+$0x0] =	vst.idx.msk $0xffff, v63  }
.Ltmp2:
0x113: {  	[tilespmem:v31+s11+$0x0] =	vst.idx.msk $0xffff, v8;
	(pc) =	sbr.rel @p0 .LBB2_1-.Ltmp2, $4  }
0x114: {  	[hbm4b:s7+s3] =	stream.linear.scatter [tilespmem:s12], [sflag:$0x3], $0x2000, $0x38;
	[tilespmem:$0x4080] =	vst v63  }
0x115: {  	_ =	swait.ge [sflag:s15], $0x4000  }
0x116: {  	[sflag:s15] =	ssyncset.done $0x0  }
0x117: {  	[sflag:s15] =	ssyncadd.s32 $0xFFFFC000  }
0x118: {  	_ =	sfence.sel $0x180000  }
0x119: {  	[bflag:$0x0] =	sbarrier.arrive $0xFFFF  }
0x11a: {  	p0 =	sne.s32 s1, $0x0;
	_ =	strace $0x90000047  }
0x11b: {  	s0 =	sadd.s32 @!p0 $0x100000, s0;
	[bflag:$0x2] =	sbarrier.arrive $0xFFFF  }
0x11c: {  	[sflag:s0] =	ssyncadd.tile.s32 @!p0 $0x1;
	_ =	shalt  }
.Lfunc_end2:
_tile_overlayer_lowered:
.L_overlay_start_2:
0x11d: {  	(tag) =	ssettag $0x2  }
0x11e: {  	s0 =	rddreg [dreg:$0x0];
	s2 =	stileid.u32  }
0x11f: {  	s1 =	rddreg [dreg:$0x1];
	p0 =	sne.s32 s2, $0x0  }
0x120: {  	s3 =	rddreg [dreg:$0x2];
	[bflag:$0x3] =	sbarrier.arrive $0xFFFF;
	s2 =	simm.s32 @!p0 $0x1C04  }
0x121: {  	[timem:s3], [sflag:s2] =	dma.local @!p0 [hbm:s0], s1  }
0x122: {  	s0 =	simm.s32 @!p0 $0x4  }
0x123: {  	_ =	swait.ge @!p0 [sflag:s0], s1  }
0x124: {  	s1 =	ssub.s32 @!p0 $0x0, s1;
	[sflag:s0] =	ssyncset.done @!p0 $0x0  }
0x125: {  	[sflag:s0] =	ssyncadd.s32 @!p0 s1  }
0x126: {  	[bflag:$0x3] =	sbarrier.arrive $0xFFFF  }
0x127: {  	_ =	shalt  }

</sc_bundles>
